<compile_context>
chip_gen: v7x
topology: tpu7x:2x2x1
jax: 0.10.2.dev20260603
libtpu: 0.0.44.dev20260713+nightly
codegen_flags: <defaults>
</compile_context>

<pallas_src>
import functools

import jax
import jax.numpy as jnp
from jax import lax
from jax.experimental import pallas as pl
from jax.experimental.pallas import tpu as pltpu
from jax.experimental.pallas import tpu_sc as plsc

VOCAB = 100000
EMBED = 64
OUT = 5
B = 16384
L = 50
DP = 8

NC = 2
NS = 16
NW = NC * NS
CHUNK = 56
ROWS_PW = B // NW
CHUNKS_PW = ROWS_PW
NBUF = 8
GROUPS = CHUNKS_PW // NBUF



def _proj_body(t_ref, w_ref, z_ref):
    zz = jax.lax.dot_general(
        t_ref[...], w_ref[...],
        dimension_numbers=(((1,), (1,)), ((), ())),
        preferred_element_type=jnp.float32)
    z3 = zz.reshape(_ROWS_BLK // 16, 16, DP)
    packed = jnp.concatenate([z3[:, a, :] for a in range(16)], axis=1)
    z_ref[...] = packed.reshape(1, _ROWS_BLK // 16, 128)


_ROWS_BLK = 10000

_project = pl.pallas_call(
    _proj_body,
    grid=(VOCAB // _ROWS_BLK,),
    in_specs=[
        pl.BlockSpec((_ROWS_BLK, EMBED), lambda i: (i, 0)),
        pl.BlockSpec((DP, EMBED), lambda i: (0, 0)),
    ],
    out_specs=pl.BlockSpec((1, _ROWS_BLK // 16, 128), lambda i: (i, 0, 0)),
    out_shape=jax.ShapeDtypeStruct(
        (VOCAB // _ROWS_BLK, _ROWS_BLK // 16, 128), jnp.float32),
)



_mesh = plsc.VectorSubcoreMesh(core_axis_name="c", subcore_axis_name="s")


@functools.partial(
    pl.kernel,
    out_type=jax.ShapeDtypeStruct((B, 16), jnp.float32),
    mesh=_mesh,
    scratch_types=[
        pltpu.VMEM((ROWS_PW, 128), jnp.int32),
        pltpu.VMEM((NBUF * CHUNK, DP), jnp.float32),
        pltpu.VMEM((ROWS_PW, 16), jnp.float32),
        pltpu.VMEM((16,), jnp.float32),
        pltpu.VMEM_SHARED((VOCAB, DP), jnp.float32),
        pltpu.SemaphoreType.DMA,
        [pltpu.SemaphoreType.DMA] * NBUF,
    ],
    compiler_params=pltpu.CompilerParams(use_tc_tiling_on_sc=False, needs_layout_passes=False),
)
def _sc_pool(idx_hbm, z_hbm, lb_hbm, out_hbm, idx_v, gbuf, out_v, lb_v,
             zsh, sem_i, gsems):
    sid = lax.axis_index("s")
    wid = sid * NC + lax.axis_index("c")
    rbase = wid * ROWS_PW

    zrows = VOCAB // NS
    pltpu.sync_copy(z_hbm.at[pl.ds(sid * zrows, zrows)],
                    zsh.at[pl.ds(sid * zrows, zrows)])
    pltpu.sync_copy(lb_hbm, lb_v)
    pltpu.sync_copy(idx_hbm.at[pl.ds(rbase, ROWS_PW)], idx_v)
    plsc.subcore_barrier()

    def _src(j):
        return zsh.at[idx_v.at[j, pl.ds(0, CHUNK)]]

    def _dst(k):
        return gbuf.at[pl.ds(k * CHUNK, CHUNK)]

    for k in range(NBUF):
        pltpu.async_copy(_src(k), _dst(k), gsems[k])

    lane = lax.iota(jnp.int32, 16)
    half = lax.shift_right_logical(lane, 3)
    col = lane & 7
    fold = (lane + 8) & 15

    def _sum_rows(k, lo, hi):
        vals = [
            plsc.load_gather(gbuf, [k * CHUNK + 2 * i + half, col])
            for i in range(lo, hi)
        ]
        while len(vals) > 1:
            nxt = [vals[i] + vals[i + 1] for i in range(0, len(vals) - 1, 2)]
            if len(vals) % 2:
                nxt.append(vals[-1])
            vals = nxt
        s = vals[0]
        return s + jnp.take(s, fold, axis=0)

    def _group(g, carry):
        for k in range(NBUF):
            j = g * NBUF + k
            pltpu.make_async_copy(_src(k), _dst(k), gsems[k]).wait()
            out_v[j, :] = _sum_rows(k, 0, L // 2) + lb_v[...]

            @pl.when(j + NBUF < CHUNKS_PW)
            def _():
                pltpu.async_copy(_src(j + NBUF), _dst(k), gsems[k])
        return carry

    lax.fori_loop(0, GROUPS, _group, 0)

    pltpu.sync_copy(out_v, out_hbm.at[pl.ds(rbase, ROWS_PW)])


def kernel(inputs, table, W, b):
    W_pad = jnp.zeros((DP, EMBED), jnp.float32).at[:OUT].set(W)
    lb = jnp.zeros((16,), jnp.float32).at[:OUT].set(jnp.float32(L) * b)
    z = _project(table, W_pad).reshape(VOCAB, DP)
    idx_pad = jnp.pad(inputs, ((0, 0), (0, 128 - L)))
    pooled = _sc_pool(idx_pad, z, lb)
    return pooled[:, :OUT]

# --- scband reference (transcript-rebuilt; emitter-appended) ---
"""Pipeline reference for scband-cbow-3307124818194 (READ-ONLY COPY).

The authoritative reference and input builder live on the scoring server;
editing this copy changes nothing except your own understanding.
"""

import jax, jax.numpy as jnp
import numpy as np

VOCAB = 100000
EMBED = 64
OUT = 5
B = 16384
L = 50
PAD = 0


def setup_inputs(seed: int = 0) -> dict:
    key = jax.random.key(seed)
    k1, k2, k3, k4 = jax.random.split(key, 4)
    inputs = jax.random.randint(k1, (B, L), 0, VOCAB, dtype=jnp.int32)
    table = jax.random.normal(k2, (VOCAB, EMBED), dtype=jnp.float32)
    # padding_idx row is zero-initialized in torch nn.Embedding
    table = table.at[PAD].set(0.0)
    W = jax.random.normal(k3, (OUT, EMBED), dtype=jnp.float32) * 0.05
    b = jax.random.normal(k4, (OUT,), dtype=jnp.float32) * 0.05
    return {"inputs": inputs, "table": table, "W": W, "b": b}


def reference(inputs, table, W, b):
    # embeds = self.embed(inputs)
    embeds = jnp.take(table, inputs, axis=0)          # [B, L, EMBED]
    # logits = self.linear(embeds)
    logits = embeds @ W.T + b                          # [B, L, OUT]
    # logits = logits.sum(dim=1)
    return logits.sum(axis=1)                          # [B, OUT]

if __name__ == "__main__":
    import jax
    _d = setup_inputs()
    print(jax.jit(kernel)(*tuple(_d.values())))

</pallas_src>

<mosaic_0001>
#map = affine_map<(d0, d1) -> (0, 0)>
#map1 = affine_map<(d0, d1) -> (0)>
module attributes {stable_mosaic.version = 14 : i64} {
  func.func @_sc_pool(%arg0: i32, %arg1: i32, %arg2: memref<16384x128xi32, #tpu.memory_space<hbm>>, %arg3: memref<100000x8xf32, #tpu.memory_space<hbm>>, %arg4: memref<16xf32, #tpu.memory_space<hbm>>, %arg5: memref<16384x16xf32, #tpu.memory_space<hbm>>, %arg6: memref<512x128xi32, #tpu.memory_space<vmem>>, %arg7: memref<448x8xf32, #tpu.memory_space<vmem>>, %arg8: memref<512x16xf32, #tpu.memory_space<vmem>>, %arg9: memref<16xf32, #tpu.memory_space<vmem>>, %arg10: memref<100000x8xf32, #tpu.memory_space<vmem_shared>>, %arg11: memref<!tpu.dma_semaphore, #tpu.memory_space<semaphore_mem>>, %arg12: memref<!tpu.dma_semaphore, #tpu.memory_space<semaphore_mem>>, %arg13: memref<!tpu.dma_semaphore, #tpu.memory_space<semaphore_mem>>, %arg14: memref<!tpu.dma_semaphore, #tpu.memory_space<semaphore_mem>>, %arg15: memref<!tpu.dma_semaphore, #tpu.memory_space<semaphore_mem>>, %arg16: memref<!tpu.dma_semaphore, #tpu.memory_space<semaphore_mem>>, %arg17: memref<!tpu.dma_semaphore, #tpu.memory_space<semaphore_mem>>, %arg18: memref<!tpu.dma_semaphore, #tpu.memory_space<semaphore_mem>>, %arg19: memref<!tpu.dma_semaphore, #tpu.memory_space<semaphore_mem>>) attributes {dimension_semantics = [#tpu.dimension_semantics<core_parallel>, #tpu.dimension_semantics<subcore_parallel>], iteration_bounds = array<i64: 2, 16>, scalar_prefetch = 0 : i64, scratch_operands = 14 : i64, tpu.core_type = #tpu.core_type<sc_vector_subcore>, window_params = [{transform_indices = #map}, {transform_indices = #map}, {transform_indices = #map1}, {transform_indices = #map}]} {
    %mul3A = arith.constant 2 : i32
    %mul3A_0 = arith.muli %arg1, %mul3A : i32
    %add3A = arith.addi %mul3A_0, %arg0 : i32
    %mul3A_1 = arith.constant 512 : i32
    %mul3A_2 = arith.muli %add3A, %mul3A_1 : i32
    %mul3A_3 = arith.constant 6250 : i32
    %mul3A_4 = arith.muli %arg1, %mul3A_3 : i32
    %mul3A_5 = arith.constant 6250 : i32
    %mul3A_6 = arith.muli %arg1, %mul3A_5 : i32
    "tpu.region"() ({
      %run_scoped3A = tpu.sem_alloc : memref<!tpu.dma_semaphore, #tpu.memory_space<semaphore_mem>>
      %dma_start3A_101 = arith.constant 0 : i32
      %dma_start3A_102 = tpu.memref_slice %arg10[%mul3A_6, %dma_start3A_101] : memref<100000x8xf32, #tpu.memory_space<vmem_shared>> -> memref<6250x8xf32, #tpu.memory_space<vmem_shared>>
      %dma_start3A_103 = arith.constant 0 : i32
      %dma_start3A_104 = tpu.memref_slice %arg3[%mul3A_4, %dma_start3A_103] : memref<100000x8xf32, #tpu.memory_space<hbm>> -> memref<6250x8xf32, #tpu.memory_space<hbm>>
      tpu.enqueue_dma source(%dma_start3A_104 : memref<6250x8xf32, #tpu.memory_space<hbm>>) target(%dma_start3A_102 : memref<6250x8xf32, #tpu.memory_space<vmem_shared>>) target_semaphore(%run_scoped3A : memref<!tpu.dma_semaphore, #tpu.memory_space<semaphore_mem>>)
      %dma_wait3A = arith.constant 0 : i32
      %dma_wait3A_105 = tpu.memref_slice %arg10[%mul3A_6, %dma_wait3A] : memref<100000x8xf32, #tpu.memory_space<vmem_shared>> -> memref<6250x8xf32, #tpu.memory_space<vmem_shared>>
      %dma_wait3A_106 = arith.constant 0 : i32
      %dma_wait3A_107 = tpu.memref_slice %arg3[%mul3A_4, %dma_wait3A_106] : memref<100000x8xf32, #tpu.memory_space<hbm>> -> memref<6250x8xf32, #tpu.memory_space<hbm>>
      tpu.wait_dma2 semaphore(%run_scoped3A : memref<!tpu.dma_semaphore, #tpu.memory_space<semaphore_mem>>) src(%dma_wait3A_107 : memref<6250x8xf32, #tpu.memory_space<hbm>>) dst(%dma_wait3A_105 : memref<6250x8xf32, #tpu.memory_space<vmem_shared>>)
      tpu.yield
    }) : () -> ()
    "tpu.region"() ({
      %run_scoped3A = tpu.sem_alloc : memref<!tpu.dma_semaphore, #tpu.memory_space<semaphore_mem>>
      tpu.enqueue_dma source(%arg4 : memref<16xf32, #tpu.memory_space<hbm>>) target(%arg9 : memref<16xf32, #tpu.memory_space<vmem>>) target_semaphore(%run_scoped3A : memref<!tpu.dma_semaphore, #tpu.memory_space<semaphore_mem>>)
      tpu.wait_dma2 semaphore(%run_scoped3A : memref<!tpu.dma_semaphore, #tpu.memory_space<semaphore_mem>>) src(%arg4 : memref<16xf32, #tpu.memory_space<hbm>>) dst(%arg9 : memref<16xf32, #tpu.memory_space<vmem>>)
      tpu.yield
    }) : () -> ()
    "tpu.region"() ({
      %run_scoped3A = tpu.sem_alloc : memref<!tpu.dma_semaphore, #tpu.memory_space<semaphore_mem>>
      %dma_start3A_101 = arith.constant 0 : i32
      %dma_start3A_102 = tpu.memref_slice %arg2[%mul3A_2, %dma_start3A_101] : memref<16384x128xi32, #tpu.memory_space<hbm>> -> memref<512x128xi32, #tpu.memory_space<hbm>>
      %dma_start3A_103 = arith.constant 0 : i32
      %dma_start3A_104 = tpu.memref_slice %arg2[%mul3A_2, %dma_start3A_103] : memref<16384x128xi32, #tpu.memory_space<hbm>> -> memref<512x128xi32, #tpu.memory_space<hbm>>
      tpu.enqueue_dma source(%dma_start3A_104 : memref<512x128xi32, #tpu.memory_space<hbm>>) target(%arg6 : memref<512x128xi32, #tpu.memory_space<vmem>>) target_semaphore(%run_scoped3A : memref<!tpu.dma_semaphore, #tpu.memory_space<semaphore_mem>>)
      %dma_wait3A = arith.constant 0 : i32
      %dma_wait3A_105 = tpu.memref_slice %arg2[%mul3A_2, %dma_wait3A] : memref<16384x128xi32, #tpu.memory_space<hbm>> -> memref<512x128xi32, #tpu.memory_space<hbm>>
      %dma_wait3A_106 = arith.constant 0 : i32
      %dma_wait3A_107 = tpu.memref_slice %arg2[%mul3A_2, %dma_wait3A_106] : memref<16384x128xi32, #tpu.memory_space<hbm>> -> memref<512x128xi32, #tpu.memory_space<hbm>>
      tpu.wait_dma2 semaphore(%run_scoped3A : memref<!tpu.dma_semaphore, #tpu.memory_space<semaphore_mem>>) src(%dma_wait3A_107 : memref<512x128xi32, #tpu.memory_space<hbm>>) dst(%arg6 : memref<512x128xi32, #tpu.memory_space<vmem>>)
      tpu.yield
    }) : () -> ()
    %barrier3A = arith.constant 0 : index
    tpu.barrier barrier_id(%barrier3A)
    %dma_start3A = arith.constant 0 : i32
    %dma_start3A_7 = arith.constant 0 : i32
    %dma_start3A_8 = arith.constant 0 : i32
    %dma_start3A_9 = tpu.memref_slice %arg7[%dma_start3A_7, %dma_start3A_8] : memref<448x8xf32, #tpu.memory_space<vmem>> -> memref<56x8xf32, #tpu.memory_space<vmem>>
    %dma_start3A_10 = arith.constant 0 : i32
    %dma_start3A_11 = tpu.memref_slice %arg6[%dma_start3A, %dma_start3A_10] : memref<512x128xi32, #tpu.memory_space<vmem>> -> memref<1x56xi32, #tpu.memory_space<vmem>>
    %dma_start3A_12 = tpu.memref_squeeze %dma_start3A_11 : memref<1x56xi32, #tpu.memory_space<vmem>> -> memref<56xi32, #tpu.memory_space<vmem>>
    %dma_start3A_13 = arith.constant 0 : i32
    %dma_start3A_14 = arith.constant 0 : i32
    %dma_start3A_15 = tpu.memref_slice %arg10[%dma_start3A_13, %dma_start3A_14] : memref<100000x8xf32, #tpu.memory_space<vmem_shared>> -> memref<100000x8xf32, #tpu.memory_space<vmem_shared>>
    tpu.enqueue_indirect_dma source(%dma_start3A_15 : memref<100000x8xf32, #tpu.memory_space<vmem_shared>>) target(%dma_start3A_9 : memref<56x8xf32, #tpu.memory_space<vmem>>) offsets(%dma_start3A_12 : memref<56xi32, #tpu.memory_space<vmem>>) semaphore(%arg12 : memref<!tpu.dma_semaphore, #tpu.memory_space<semaphore_mem>>)
    %dma_start3A_16 = arith.constant 1 : i32
    %dma_start3A_17 = arith.constant 56 : i32
    %dma_start3A_18 = arith.constant 0 : i32
    %dma_start3A_19 = tpu.memref_slice %arg7[%dma_start3A_17, %dma_start3A_18] : memref<448x8xf32, #tpu.memory_space<vmem>> -> memref<56x8xf32, #tpu.memory_space<vmem>>
    %dma_start3A_20 = arith.constant 0 : i32
    %dma_start3A_21 = tpu.memref_slice %arg6[%dma_start3A_16, %dma_start3A_20] : memref<512x128xi32, #tpu.memory_space<vmem>> -> memref<1x56xi32, #tpu.memory_space<vmem>>
    %dma_start3A_22 = tpu.memref_squeeze %dma_start3A_21 : memref<1x56xi32, #tpu.memory_space<vmem>> -> memref<56xi32, #tpu.memory_space<vmem>>
    %dma_start3A_23 = arith.constant 0 : i32
    %dma_start3A_24 = arith.constant 0 : i32
    %dma_start3A_25 = tpu.memref_slice %arg10[%dma_start3A_23, %dma_start3A_24] : memref<100000x8xf32, #tpu.memory_space<vmem_shared>> -> memref<100000x8xf32, #tpu.memory_space<vmem_shared>>
    tpu.enqueue_indirect_dma source(%dma_start3A_25 : memref<100000x8xf32, #tpu.memory_space<vmem_shared>>) target(%dma_start3A_19 : memref<56x8xf32, #tpu.memory_space<vmem>>) offsets(%dma_start3A_22 : memref<56xi32, #tpu.memory_space<vmem>>) semaphore(%arg13 : memref<!tpu.dma_semaphore, #tpu.memory_space<semaphore_mem>>)
    %dma_start3A_26 = arith.constant 2 : i32
    %dma_start3A_27 = arith.constant 112 : i32
    %dma_start3A_28 = arith.constant 0 : i32
    %dma_start3A_29 = tpu.memref_slice %arg7[%dma_start3A_27, %dma_start3A_28] : memref<448x8xf32, #tpu.memory_space<vmem>> -> memref<56x8xf32, #tpu.memory_space<vmem>>
    %dma_start3A_30 = arith.constant 0 : i32
    %dma_start3A_31 = tpu.memref_slice %arg6[%dma_start3A_26, %dma_start3A_30] : memref<512x128xi32, #tpu.memory_space<vmem>> -> memref<1x56xi32, #tpu.memory_space<vmem>>
    %dma_start3A_32 = tpu.memref_squeeze %dma_start3A_31 : memref<1x56xi32, #tpu.memory_space<vmem>> -> memref<56xi32, #tpu.memory_space<vmem>>
    %dma_start3A_33 = arith.constant 0 : i32
    %dma_start3A_34 = arith.constant 0 : i32
    %dma_start3A_35 = tpu.memref_slice %arg10[%dma_start3A_33, %dma_start3A_34] : memref<100000x8xf32, #tpu.memory_space<vmem_shared>> -> memref<100000x8xf32, #tpu.memory_space<vmem_shared>>
    tpu.enqueue_indirect_dma source(%dma_start3A_35 : memref<100000x8xf32, #tpu.memory_space<vmem_shared>>) target(%dma_start3A_29 : memref<56x8xf32, #tpu.memory_space<vmem>>) offsets(%dma_start3A_32 : memref<56xi32, #tpu.memory_space<vmem>>) semaphore(%arg14 : memref<!tpu.dma_semaphore, #tpu.memory_space<semaphore_mem>>)
    %dma_start3A_36 = arith.constant 3 : i32
    %dma_start3A_37 = arith.constant 168 : i32
    %dma_start3A_38 = arith.constant 0 : i32
    %dma_start3A_39 = tpu.memref_slice %arg7[%dma_start3A_37, %dma_start3A_38] : memref<448x8xf32, #tpu.memory_space<vmem>> -> memref<56x8xf32, #tpu.memory_space<vmem>>
    %dma_start3A_40 = arith.constant 0 : i32
    %dma_start3A_41 = tpu.memref_slice %arg6[%dma_start3A_36, %dma_start3A_40] : memref<512x128xi32, #tpu.memory_space<vmem>> -> memref<1x56xi32, #tpu.memory_space<vmem>>
    %dma_start3A_42 = tpu.memref_squeeze %dma_start3A_41 : memref<1x56xi32, #tpu.memory_space<vmem>> -> memref<56xi32, #tpu.memory_space<vmem>>
    %dma_start3A_43 = arith.constant 0 : i32
    %dma_start3A_44 = arith.constant 0 : i32
    %dma_start3A_45 = tpu.memref_slice %arg10[%dma_start3A_43, %dma_start3A_44] : memref<100000x8xf32, #tpu.memory_space<vmem_shared>> -> memref<100000x8xf32, #tpu.memory_space<vmem_shared>>
    tpu.enqueue_indirect_dma source(%dma_start3A_45 : memref<100000x8xf32, #tpu.memory_space<vmem_shared>>) target(%dma_start3A_39 : memref<56x8xf32, #tpu.memory_space<vmem>>) offsets(%dma_start3A_42 : memref<56xi32, #tpu.memory_space<vmem>>) semaphore(%arg15 : memref<!tpu.dma_semaphore, #tpu.memory_space<semaphore_mem>>)
    %dma_start3A_46 = arith.constant 4 : i32
    %dma_start3A_47 = arith.constant 224 : i32
    %dma_start3A_48 = arith.constant 0 : i32
    %dma_start3A_49 = tpu.memref_slice %arg7[%dma_start3A_47, %dma_start3A_48] : memref<448x8xf32, #tpu.memory_space<vmem>> -> memref<56x8xf32, #tpu.memory_space<vmem>>
    %dma_start3A_50 = arith.constant 0 : i32
    %dma_start3A_51 = tpu.memref_slice %arg6[%dma_start3A_46, %dma_start3A_50] : memref<512x128xi32, #tpu.memory_space<vmem>> -> memref<1x56xi32, #tpu.memory_space<vmem>>
    %dma_start3A_52 = tpu.memref_squeeze %dma_start3A_51 : memref<1x56xi32, #tpu.memory_space<vmem>> -> memref<56xi32, #tpu.memory_space<vmem>>
    %dma_start3A_53 = arith.constant 0 : i32
    %dma_start3A_54 = arith.constant 0 : i32
    %dma_start3A_55 = tpu.memref_slice %arg10[%dma_start3A_53, %dma_start3A_54] : memref<100000x8xf32, #tpu.memory_space<vmem_shared>> -> memref<100000x8xf32, #tpu.memory_space<vmem_shared>>
    tpu.enqueue_indirect_dma source(%dma_start3A_55 : memref<100000x8xf32, #tpu.memory_space<vmem_shared>>) target(%dma_start3A_49 : memref<56x8xf32, #tpu.memory_space<vmem>>) offsets(%dma_start3A_52 : memref<56xi32, #tpu.memory_space<vmem>>) semaphore(%arg16 : memref<!tpu.dma_semaphore, #tpu.memory_space<semaphore_mem>>)
    %dma_start3A_56 = arith.constant 5 : i32
    %dma_start3A_57 = arith.constant 280 : i32
    %dma_start3A_58 = arith.constant 0 : i32
    %dma_start3A_59 = tpu.memref_slice %arg7[%dma_start3A_57, %dma_start3A_58] : memref<448x8xf32, #tpu.memory_space<vmem>> -> memref<56x8xf32, #tpu.memory_space<vmem>>
    %dma_start3A_60 = arith.constant 0 : i32
    %dma_start3A_61 = tpu.memref_slice %arg6[%dma_start3A_56, %dma_start3A_60] : memref<512x128xi32, #tpu.memory_space<vmem>> -> memref<1x56xi32, #tpu.memory_space<vmem>>
    %dma_start3A_62 = tpu.memref_squeeze %dma_start3A_61 : memref<1x56xi32, #tpu.memory_space<vmem>> -> memref<56xi32, #tpu.memory_space<vmem>>
    %dma_start3A_63 = arith.constant 0 : i32
    %dma_start3A_64 = arith.constant 0 : i32
    %dma_start3A_65 = tpu.memref_slice %arg10[%dma_start3A_63, %dma_start3A_64] : memref<100000x8xf32, #tpu.memory_space<vmem_shared>> -> memref<100000x8xf32, #tpu.memory_space<vmem_shared>>
    tpu.enqueue_indirect_dma source(%dma_start3A_65 : memref<100000x8xf32, #tpu.memory_space<vmem_shared>>) target(%dma_start3A_59 : memref<56x8xf32, #tpu.memory_space<vmem>>) offsets(%dma_start3A_62 : memref<56xi32, #tpu.memory_space<vmem>>) semaphore(%arg17 : memref<!tpu.dma_semaphore, #tpu.memory_space<semaphore_mem>>)
    %dma_start3A_66 = arith.constant 6 : i32
    %dma_start3A_67 = arith.constant 336 : i32
    %dma_start3A_68 = arith.constant 0 : i32
    %dma_start3A_69 = tpu.memref_slice %arg7[%dma_start3A_67, %dma_start3A_68] : memref<448x8xf32, #tpu.memory_space<vmem>> -> memref<56x8xf32, #tpu.memory_space<vmem>>
    %dma_start3A_70 = arith.constant 0 : i32
    %dma_start3A_71 = tpu.memref_slice %arg6[%dma_start3A_66, %dma_start3A_70] : memref<512x128xi32, #tpu.memory_space<vmem>> -> memref<1x56xi32, #tpu.memory_space<vmem>>
    %dma_start3A_72 = tpu.memref_squeeze %dma_start3A_71 : memref<1x56xi32, #tpu.memory_space<vmem>> -> memref<56xi32, #tpu.memory_space<vmem>>
    %dma_start3A_73 = arith.constant 0 : i32
    %dma_start3A_74 = arith.constant 0 : i32
    %dma_start3A_75 = tpu.memref_slice %arg10[%dma_start3A_73, %dma_start3A_74] : memref<100000x8xf32, #tpu.memory_space<vmem_shared>> -> memref<100000x8xf32, #tpu.memory_space<vmem_shared>>
    tpu.enqueue_indirect_dma source(%dma_start3A_75 : memref<100000x8xf32, #tpu.memory_space<vmem_shared>>) target(%dma_start3A_69 : memref<56x8xf32, #tpu.memory_space<vmem>>) offsets(%dma_start3A_72 : memref<56xi32, #tpu.memory_space<vmem>>) semaphore(%arg18 : memref<!tpu.dma_semaphore, #tpu.memory_space<semaphore_mem>>)
    %dma_start3A_76 = arith.constant 7 : i32
    %dma_start3A_77 = arith.constant 392 : i32
    %dma_start3A_78 = arith.constant 0 : i32
    %dma_start3A_79 = tpu.memref_slice %arg7[%dma_start3A_77, %dma_start3A_78] : memref<448x8xf32, #tpu.memory_space<vmem>> -> memref<56x8xf32, #tpu.memory_space<vmem>>
    %dma_start3A_80 = arith.constant 0 : i32
    %dma_start3A_81 = tpu.memref_slice %arg6[%dma_start3A_76, %dma_start3A_80] : memref<512x128xi32, #tpu.memory_space<vmem>> -> memref<1x56xi32, #tpu.memory_space<vmem>>
    %dma_start3A_82 = tpu.memref_squeeze %dma_start3A_81 : memref<1x56xi32, #tpu.memory_space<vmem>> -> memref<56xi32, #tpu.memory_space<vmem>>
    %dma_start3A_83 = arith.constant 0 : i32
    %dma_start3A_84 = arith.constant 0 : i32
    %dma_start3A_85 = tpu.memref_slice %arg10[%dma_start3A_83, %dma_start3A_84] : memref<100000x8xf32, #tpu.memory_space<vmem_shared>> -> memref<100000x8xf32, #tpu.memory_space<vmem_shared>>
    tpu.enqueue_indirect_dma source(%dma_start3A_85 : memref<100000x8xf32, #tpu.memory_space<vmem_shared>>) target(%dma_start3A_79 : memref<56x8xf32, #tpu.memory_space<vmem>>) offsets(%dma_start3A_82 : memref<56xi32, #tpu.memory_space<vmem>>) semaphore(%arg19 : memref<!tpu.dma_semaphore, #tpu.memory_space<semaphore_mem>>)
    %iota3A = tpu.iota {dimensions = array<i32: 0>} : vector<16xi32>
    %shift_right_logical3A = arith.constant 3 : i32
    %shift_right_logical3A_86 = vector.broadcast %shift_right_logical3A : i32 to vector<16xi32>
    %shift_right_logical3A_87 = arith.shrui %iota3A, %shift_right_logical3A_86 : vector<16xi32>
    %and3A = arith.constant 7 : i32
    %and3A_88 = vector.broadcast %and3A : i32 to vector<16xi32>
    %and3A_89 = arith.andi %iota3A, %and3A_88 : vector<16xi32>
    %add3A_90 = arith.constant 8 : i32
    %add3A_91 = vector.broadcast %add3A_90 : i32 to vector<16xi32>
    %add3A_92 = arith.addi %iota3A, %add3A_91 : vector<16xi32>
    %and3A_93 = arith.constant 15 : i32
    %and3A_94 = vector.broadcast %and3A_93 : i32 to vector<16xi32>
    %and3A_95 = arith.andi %add3A_92, %and3A_94 : vector<16xi32>
    %scan3A = arith.constant 0 : i32
    %scan3A_96 = arith.constant 0 : i32
    %scan3A_97 = arith.constant 64 : i32
    %scan3A_98 = arith.addi %scan3A_96, %scan3A_97 : i32
    %scan3A_99 = arith.constant 1 : i32
    scf.for %scan3A_101 = %scan3A_96 to %scan3A_98 step %scan3A_99  : i32 {
      %mul3A_102 = arith.constant 8 : i32
      %mul3A_103 = arith.muli %scan3A_101, %mul3A_102 : i32
      %add3A_104 = arith.constant 0 : i32
      %add3A_105 = arith.addi %mul3A_103, %add3A_104 : i32
      %dma_wait3A = arith.constant 0 : i32
      %dma_wait3A_106 = arith.constant 0 : i32
      %dma_wait3A_107 = arith.constant 0 : i32
      %dma_wait3A_108 = tpu.memref_slice %arg7[%dma_wait3A_106, %dma_wait3A_107] : memref<448x8xf32, #tpu.memory_space<vmem>> -> memref<56x8xf32, #tpu.memory_space<vmem>>
      %dma_wait3A_109 = arith.constant 0 : i32
      %dma_wait3A_110 = tpu.memref_slice %arg6[%dma_wait3A, %dma_wait3A_109] : memref<512x128xi32, #tpu.memory_space<vmem>> -> memref<1x56xi32, #tpu.memory_space<vmem>>
      %dma_wait3A_111 = tpu.memref_squeeze %dma_wait3A_110 : memref<1x56xi32, #tpu.memory_space<vmem>> -> memref<56xi32, #tpu.memory_space<vmem>>
      %dma_wait3A_112 = arith.constant 0 : i32
      %dma_wait3A_113 = arith.constant 0 : i32
      %dma_wait3A_114 = tpu.memref_slice %arg10[%dma_wait3A_112, %dma_wait3A_113] : memref<100000x8xf32, #tpu.memory_space<vmem_shared>> -> memref<100000x8xf32, #tpu.memory_space<vmem_shared>>
      tpu.wait_indirect_dma semaphore(%arg12 : memref<!tpu.dma_semaphore, #tpu.memory_space<semaphore_mem>>) src(%dma_wait3A_114 : memref<100000x8xf32, #tpu.memory_space<vmem_shared>>) dst(%dma_wait3A_108 : memref<56x8xf32, #tpu.memory_space<vmem>>)
      %add3A_115 = arith.constant 0 : i32
      %add3A_116 = vector.broadcast %add3A_115 : i32 to vector<16xi32>
      %add3A_117 = arith.addi %add3A_116, %shift_right_logical3A_87 : vector<16xi32>
      %gather3A = tpu.vector_load_idx %arg7[%add3A_117, %and3A_89] : memref<448x8xf32, #tpu.memory_space<vmem>>[vector<16xi32>, vector<16xi32>], vector<16xf32>,
      %add3A_118 = arith.constant 2 : i32
      %add3A_119 = vector.broadcast %add3A_118 : i32 to vector<16xi32>
      %add3A_120 = arith.addi %add3A_119, %shift_right_logical3A_87 : vector<16xi32>
      %gather3A_121 = tpu.vector_load_idx %arg7[%add3A_120, %and3A_89] : memref<448x8xf32, #tpu.memory_space<vmem>>[vector<16xi32>, vector<16xi32>], vector<16xf32>,
      %add3A_122 = arith.constant 4 : i32
      %add3A_123 = vector.broadcast %add3A_122 : i32 to vector<16xi32>
      %add3A_124 = arith.addi %add3A_123, %shift_right_logical3A_87 : vector<16xi32>
      %gather3A_125 = tpu.vector_load_idx %arg7[%add3A_124, %and3A_89] : memref<448x8xf32, #tpu.memory_space<vmem>>[vector<16xi32>, vector<16xi32>], vector<16xf32>,
      %add3A_126 = arith.constant 6 : i32
      %add3A_127 = vector.broadcast %add3A_126 : i32 to vector<16xi32>
      %add3A_128 = arith.addi %add3A_127, %shift_right_logical3A_87 : vector<16xi32>
      %gather3A_129 = tpu.vector_load_idx %arg7[%add3A_128, %and3A_89] : memref<448x8xf32, #tpu.memory_space<vmem>>[vector<16xi32>, vector<16xi32>], vector<16xf32>,
      %add3A_130 = arith.constant 8 : i32
      %add3A_131 = vector.broadcast %add3A_130 : i32 to vector<16xi32>
      %add3A_132 = arith.addi %add3A_131, %shift_right_logical3A_87 : vector<16xi32>
      %gather3A_133 = tpu.vector_load_idx %arg7[%add3A_132, %and3A_89] : memref<448x8xf32, #tpu.memory_space<vmem>>[vector<16xi32>, vector<16xi32>], vector<16xf32>,
      %add3A_134 = arith.constant 10 : i32
      %add3A_135 = vector.broadcast %add3A_134 : i32 to vector<16xi32>
      %add3A_136 = arith.addi %add3A_135, %shift_right_logical3A_87 : vector<16xi32>
      %gather3A_137 = tpu.vector_load_idx %arg7[%add3A_136, %and3A_89] : memref<448x8xf32, #tpu.memory_space<vmem>>[vector<16xi32>, vector<16xi32>], vector<16xf32>,
      %add3A_138 = arith.constant 12 : i32
      %add3A_139 = vector.broadcast %add3A_138 : i32 to vector<16xi32>
      %add3A_140 = arith.addi %add3A_139, %shift_right_logical3A_87 : vector<16xi32>
      %gather3A_141 = tpu.vector_load_idx %arg7[%add3A_140, %and3A_89] : memref<448x8xf32, #tpu.memory_space<vmem>>[vector<16xi32>, vector<16xi32>], vector<16xf32>,
      %add3A_142 = arith.constant 14 : i32
      %add3A_143 = vector.broadcast %add3A_142 : i32 to vector<16xi32>
      %add3A_144 = arith.addi %add3A_143, %shift_right_logical3A_87 : vector<16xi32>
      %gather3A_145 = tpu.vector_load_idx %arg7[%add3A_144, %and3A_89] : memref<448x8xf32, #tpu.memory_space<vmem>>[vector<16xi32>, vector<16xi32>], vector<16xf32>,
      %add3A_146 = arith.constant 16 : i32
      %add3A_147 = vector.broadcast %add3A_146 : i32 to vector<16xi32>
      %add3A_148 = arith.addi %add3A_147, %shift_right_logical3A_87 : vector<16xi32>
      %gather3A_149 = tpu.vector_load_idx %arg7[%add3A_148, %and3A_89] : memref<448x8xf32, #tpu.memory_space<vmem>>[vector<16xi32>, vector<16xi32>], vector<16xf32>,
      %add3A_150 = arith.constant 18 : i32
      %add3A_151 = vector.broadcast %add3A_150 : i32 to vector<16xi32>
      %add3A_152 = arith.addi %add3A_151, %shift_right_logical3A_87 : vector<16xi32>
      %gather3A_153 = tpu.vector_load_idx %arg7[%add3A_152, %and3A_89] : memref<448x8xf32, #tpu.memory_space<vmem>>[vector<16xi32>, vector<16xi32>], vector<16xf32>,
      %add3A_154 = arith.constant 20 : i32
      %add3A_155 = vector.broadcast %add3A_154 : i32 to vector<16xi32>
      %add3A_156 = arith.addi %add3A_155, %shift_right_logical3A_87 : vector<16xi32>
      %gather3A_157 = tpu.vector_load_idx %arg7[%add3A_156, %and3A_89] : memref<448x8xf32, #tpu.memory_space<vmem>>[vector<16xi32>, vector<16xi32>], vector<16xf32>,
      %add3A_158 = arith.constant 22 : i32
      %add3A_159 = vector.broadcast %add3A_158 : i32 to vector<16xi32>
      %add3A_160 = arith.addi %add3A_159, %shift_right_logical3A_87 : vector<16xi32>
      %gather3A_161 = tpu.vector_load_idx %arg7[%add3A_160, %and3A_89] : memref<448x8xf32, #tpu.memory_space<vmem>>[vector<16xi32>, vector<16xi32>], vector<16xf32>,
      %add3A_162 = arith.constant 24 : i32
      %add3A_163 = vector.broadcast %add3A_162 : i32 to vector<16xi32>
      %add3A_164 = arith.addi %add3A_163, %shift_right_logical3A_87 : vector<16xi32>
      %gather3A_165 = tpu.vector_load_idx %arg7[%add3A_164, %and3A_89] : memref<448x8xf32, #tpu.memory_space<vmem>>[vector<16xi32>, vector<16xi32>], vector<16xf32>,
      %add3A_166 = arith.constant 26 : i32
      %add3A_167 = vector.broadcast %add3A_166 : i32 to vector<16xi32>
      %add3A_168 = arith.addi %add3A_167, %shift_right_logical3A_87 : vector<16xi32>
      %gather3A_169 = tpu.vector_load_idx %arg7[%add3A_168, %and3A_89] : memref<448x8xf32, #tpu.memory_space<vmem>>[vector<16xi32>, vector<16xi32>], vector<16xf32>,
      %add3A_170 = arith.constant 28 : i32
      %add3A_171 = vector.broadcast %add3A_170 : i32 to vector<16xi32>
      %add3A_172 = arith.addi %add3A_171, %shift_right_logical3A_87 : vector<16xi32>
      %gather3A_173 = tpu.vector_load_idx %arg7[%add3A_172, %and3A_89] : memref<448x8xf32, #tpu.memory_space<vmem>>[vector<16xi32>, vector<16xi32>], vector<16xf32>,
      %add3A_174 = arith.constant 30 : i32
      %add3A_175 = vector.broadcast %add3A_174 : i32 to vector<16xi32>
      %add3A_176 = arith.addi %add3A_175, %shift_right_logical3A_87 : vector<16xi32>
      %gather3A_177 = tpu.vector_load_idx %arg7[%add3A_176, %and3A_89] : memref<448x8xf32, #tpu.memory_space<vmem>>[vector<16xi32>, vector<16xi32>], vector<16xf32>,
      %add3A_178 = arith.constant 32 : i32
      %add3A_179 = vector.broadcast %add3A_178 : i32 to vector<16xi32>
      %add3A_180 = arith.addi %add3A_179, %shift_right_logical3A_87 : vector<16xi32>
      %gather3A_181 = tpu.vector_load_idx %arg7[%add3A_180, %and3A_89] : memref<448x8xf32, #tpu.memory_space<vmem>>[vector<16xi32>, vector<16xi32>], vector<16xf32>,
      %add3A_182 = arith.constant 34 : i32
      %add3A_183 = vector.broadcast %add3A_182 : i32 to vector<16xi32>
      %add3A_184 = arith.addi %add3A_183, %shift_right_logical3A_87 : vector<16xi32>
      %gather3A_185 = tpu.vector_load_idx %arg7[%add3A_184, %and3A_89] : memref<448x8xf32, #tpu.memory_space<vmem>>[vector<16xi32>, vector<16xi32>], vector<16xf32>,
      %add3A_186 = arith.constant 36 : i32
      %add3A_187 = vector.broadcast %add3A_186 : i32 to vector<16xi32>
      %add3A_188 = arith.addi %add3A_187, %shift_right_logical3A_87 : vector<16xi32>
      %gather3A_189 = tpu.vector_load_idx %arg7[%add3A_188, %and3A_89] : memref<448x8xf32, #tpu.memory_space<vmem>>[vector<16xi32>, vector<16xi32>], vector<16xf32>,
      %add3A_190 = arith.constant 38 : i32
      %add3A_191 = vector.broadcast %add3A_190 : i32 to vector<16xi32>
      %add3A_192 = arith.addi %add3A_191, %shift_right_logical3A_87 : vector<16xi32>
      %gather3A_193 = tpu.vector_load_idx %arg7[%add3A_192, %and3A_89] : memref<448x8xf32, #tpu.memory_space<vmem>>[vector<16xi32>, vector<16xi32>], vector<16xf32>,
      %add3A_194 = arith.constant 40 : i32
      %add3A_195 = vector.broadcast %add3A_194 : i32 to vector<16xi32>
      %add3A_196 = arith.addi %add3A_195, %shift_right_logical3A_87 : vector<16xi32>
      %gather3A_197 = tpu.vector_load_idx %arg7[%add3A_196, %and3A_89] : memref<448x8xf32, #tpu.memory_space<vmem>>[vector<16xi32>, vector<16xi32>], vector<16xf32>,
      %add3A_198 = arith.constant 42 : i32
      %add3A_199 = vector.broadcast %add3A_198 : i32 to vector<16xi32>
      %add3A_200 = arith.addi %add3A_199, %shift_right_logical3A_87 : vector<16xi32>
      %gather3A_201 = tpu.vector_load_idx %arg7[%add3A_200, %and3A_89] : memref<448x8xf32, #tpu.memory_space<vmem>>[vector<16xi32>, vector<16xi32>], vector<16xf32>,
      %add3A_202 = arith.constant 44 : i32
      %add3A_203 = vector.broadcast %add3A_202 : i32 to vector<16xi32>
      %add3A_204 = arith.addi %add3A_203, %shift_right_logical3A_87 : vector<16xi32>
      %gather3A_205 = tpu.vector_load_idx %arg7[%add3A_204, %and3A_89] : memref<448x8xf32, #tpu.memory_space<vmem>>[vector<16xi32>, vector<16xi32>], vector<16xf32>,
      %add3A_206 = arith.constant 46 : i32
      %add3A_207 = vector.broadcast %add3A_206 : i32 to vector<16xi32>
      %add3A_208 = arith.addi %add3A_207, %shift_right_logical3A_87 : vector<16xi32>
      %gather3A_209 = tpu.vector_load_idx %arg7[%add3A_208, %and3A_89] : memref<448x8xf32, #tpu.memory_space<vmem>>[vector<16xi32>, vector<16xi32>], vector<16xf32>,
      %add3A_210 = arith.constant 48 : i32
      %add3A_211 = vector.broadcast %add3A_210 : i32 to vector<16xi32>
      %add3A_212 = arith.addi %add3A_211, %shift_right_logical3A_87 : vector<16xi32>
      %gather3A_213 = tpu.vector_load_idx %arg7[%add3A_212, %and3A_89] : memref<448x8xf32, #tpu.memory_space<vmem>>[vector<16xi32>, vector<16xi32>], vector<16xf32>,
      %add3A_214 = arith.addf %gather3A, %gather3A_121 : vector<16xf32>
      %add3A_215 = arith.addf %gather3A_125, %gather3A_129 : vector<16xf32>
      %add3A_216 = arith.addf %gather3A_133, %gather3A_137 : vector<16xf32>
      %add3A_217 = arith.addf %gather3A_141, %gather3A_145 : vector<16xf32>
      %add3A_218 = arith.addf %gather3A_149, %gather3A_153 : vector<16xf32>
      %add3A_219 = arith.addf %gather3A_157, %gather3A_161 : vector<16xf32>
      %add3A_220 = arith.addf %gather3A_165, %gather3A_169 : vector<16xf32>
      %add3A_221 = arith.addf %gather3A_173, %gather3A_177 : vector<16xf32>
      %add3A_222 = arith.addf %gather3A_181, %gather3A_185 : vector<16xf32>
      %add3A_223 = arith.addf %gather3A_189, %gather3A_193 : vector<16xf32>
      %add3A_224 = arith.addf %gather3A_197, %gather3A_201 : vector<16xf32>
      %add3A_225 = arith.addf %gather3A_205, %gather3A_209 : vector<16xf32>
      %add3A_226 = arith.addf %add3A_214, %add3A_215 : vector<16xf32>
      %add3A_227 = arith.addf %add3A_216, %add3A_217 : vector<16xf32>
      %add3A_228 = arith.addf %add3A_218, %add3A_219 : vector<16xf32>
      %add3A_229 = arith.addf %add3A_220, %add3A_221 : vector<16xf32>
      %add3A_230 = arith.addf %add3A_222, %add3A_223 : vector<16xf32>
      %add3A_231 = arith.addf %add3A_224, %add3A_225 : vector<16xf32>
      %add3A_232 = arith.addf %add3A_226, %add3A_227 : vector<16xf32>
      %add3A_233 = arith.addf %add3A_228, %add3A_229 : vector<16xf32>
      %add3A_234 = arith.addf %add3A_230, %add3A_231 : vector<16xf32>
      %add3A_235 = arith.addf %add3A_232, %add3A_233 : vector<16xf32>
      %add3A_236 = arith.addf %add3A_234, %gather3A_213 : vector<16xf32>
      %add3A_237 = arith.addf %add3A_235, %add3A_236 : vector<16xf32>
      %lt3A = arith.constant 0 : i32
      %lt3A_238 = vector.broadcast %lt3A : i32 to vector<16xi32>
      %lt3A_239 = arith.cmpi slt, %and3A_95, %lt3A_238 : vector<16xi32>
      %add3A_240 = arith.constant 16 : i32
      %add3A_241 = vector.broadcast %add3A_240 : i32 to vector<16xi32>
      %add3A_242 = arith.addi %and3A_95, %add3A_241 : vector<16xi32>
      %select_n3A = arith.select %lt3A_239, %add3A_242, %and3A_95 : vector<16xi1>, vector<16xi32>
      %broadcast_in_dim3A = vector.shape_cast %select_n3A : vector<16xi32> to vector<16x1xi32>
      %gather3A_243 = vector.shape_cast %broadcast_in_dim3A : vector<16x1xi32> to vector<16xi32>
      %gather3A_244 = tpu.dynamic_gather %add3A_237[%gather3A_243] in [0] : vector<16xf32>, vector<16xi32> -> vector<16xf32>
      %add3A_245 = arith.addf %add3A_237, %gather3A_244 : vector<16xf32>
      %get3A = arith.constant 0 : index
      %get3A_246 = tpu.vector_load %arg9[%get3A] {strides = array<i32>} : memref<16xf32, #tpu.memory_space<vmem>>, vector<16xf32>,
      %add3A_247 = arith.addf %add3A_245, %get3A_246 : vector<16xf32>
      %swap3A = arith.index_cast %add3A_105 : i32 to index
      %swap3A_248 = arith.constant 0 : index
      %swap3A_249 = tpu.vector_load %arg8[%swap3A, %swap3A_248] {strides = array<i32>} : memref<512x16xf32, #tpu.memory_space<vmem>>, vector<16xf32>,
      tpu.vector_store %arg8[%swap3A, %swap3A_248], %add3A_247 {strides = array<i32>} : memref<512x16xf32, #tpu.memory_space<vmem>>, vector<16xf32>,
      %add3A_250 = arith.constant 8 : i32
      %add3A_251 = arith.addi %add3A_105, %add3A_250 : i32
      %lt3A_252 = arith.constant 512 : i32
      %lt3A_253 = arith.cmpi slt, %add3A_251, %lt3A_252 : i32
      %convert_element_type3A = arith.extui %lt3A_253 : i1 to i32
      %cond3A = arith.constant 0 : i32
      %cond3A_254 = arith.cmpi ne, %convert_element_type3A, %cond3A : i32
      scf.if %cond3A_254 {
        %add3A_1389 = arith.constant 8 : i32
        %add3A_1390 = arith.addi %add3A_105, %add3A_1389 : i32
        %dma_start3A_1391 = arith.constant 0 : i32
        %dma_start3A_1392 = arith.constant 0 : i32
        %dma_start3A_1393 = tpu.memref_slice %arg7[%dma_start3A_1391, %dma_start3A_1392] : memref<448x8xf32, #tpu.memory_space<vmem>> -> memref<56x8xf32, #tpu.memory_space<vmem>>
        %dma_start3A_1394 = arith.constant 0 : i32
        %dma_start3A_1395 = tpu.memref_slice %arg6[%add3A_1390, %dma_start3A_1394] : memref<512x128xi32, #tpu.memory_space<vmem>> -> memref<1x56xi32, #tpu.memory_space<vmem>>
        %dma_start3A_1396 = tpu.memref_squeeze %dma_start3A_1395 : memref<1x56xi32, #tpu.memory_space<vmem>> -> memref<56xi32, #tpu.memory_space<vmem>>
        %dma_start3A_1397 = arith.constant 0 : i32
        %dma_start3A_1398 = arith.constant 0 : i32
        %dma_start3A_1399 = tpu.memref_slice %arg10[%dma_start3A_1397, %dma_start3A_1398] : memref<100000x8xf32, #tpu.memory_space<vmem_shared>> -> memref<100000x8xf32, #tpu.memory_space<vmem_shared>>
        tpu.enqueue_indirect_dma source(%dma_start3A_1399 : memref<100000x8xf32, #tpu.memory_space<vmem_shared>>) target(%dma_start3A_1393 : memref<56x8xf32, #tpu.memory_space<vmem>>) offsets(%dma_start3A_1396 : memref<56xi32, #tpu.memory_space<vmem>>) semaphore(%arg12 : memref<!tpu.dma_semaphore, #tpu.memory_space<semaphore_mem>>)
      } else {
      }
      %mul3A_255 = arith.constant 8 : i32
      %mul3A_256 = arith.muli %scan3A_101, %mul3A_255 : i32
      %add3A_257 = arith.constant 1 : i32
      %add3A_258 = arith.addi %mul3A_256, %add3A_257 : i32
      %dma_wait3A_259 = arith.constant 1 : i32
      %dma_wait3A_260 = arith.constant 56 : i32
      %dma_wait3A_261 = arith.constant 0 : i32
      %dma_wait3A_262 = tpu.memref_slice %arg7[%dma_wait3A_260, %dma_wait3A_261] : memref<448x8xf32, #tpu.memory_space<vmem>> -> memref<56x8xf32, #tpu.memory_space<vmem>>
      %dma_wait3A_263 = arith.constant 0 : i32
      %dma_wait3A_264 = tpu.memref_slice %arg6[%dma_wait3A_259, %dma_wait3A_263] : memref<512x128xi32, #tpu.memory_space<vmem>> -> memref<1x56xi32, #tpu.memory_space<vmem>>
      %dma_wait3A_265 = tpu.memref_squeeze %dma_wait3A_264 : memref<1x56xi32, #tpu.memory_space<vmem>> -> memref<56xi32, #tpu.memory_space<vmem>>
      %dma_wait3A_266 = arith.constant 0 : i32
      %dma_wait3A_267 = arith.constant 0 : i32
      %dma_wait3A_268 = tpu.memref_slice %arg10[%dma_wait3A_266, %dma_wait3A_267] : memref<100000x8xf32, #tpu.memory_space<vmem_shared>> -> memref<100000x8xf32, #tpu.memory_space<vmem_shared>>
      tpu.wait_indirect_dma semaphore(%arg13 : memref<!tpu.dma_semaphore, #tpu.memory_space<semaphore_mem>>) src(%dma_wait3A_268 : memref<100000x8xf32, #tpu.memory_space<vmem_shared>>) dst(%dma_wait3A_262 : memref<56x8xf32, #tpu.memory_space<vmem>>)
      %add3A_269 = arith.constant 56 : i32
      %add3A_270 = vector.broadcast %add3A_269 : i32 to vector<16xi32>
      %add3A_271 = arith.addi %add3A_270, %shift_right_logical3A_87 : vector<16xi32>
      %gather3A_272 = tpu.vector_load_idx %arg7[%add3A_271, %and3A_89] : memref<448x8xf32, #tpu.memory_space<vmem>>[vector<16xi32>, vector<16xi32>], vector<16xf32>,
      %add3A_273 = arith.constant 58 : i32
      %add3A_274 = vector.broadcast %add3A_273 : i32 to vector<16xi32>
      %add3A_275 = arith.addi %add3A_274, %shift_right_logical3A_87 : vector<16xi32>
      %gather3A_276 = tpu.vector_load_idx %arg7[%add3A_275, %and3A_89] : memref<448x8xf32, #tpu.memory_space<vmem>>[vector<16xi32>, vector<16xi32>], vector<16xf32>,
      %add3A_277 = arith.constant 60 : i32
      %add3A_278 = vector.broadcast %add3A_277 : i32 to vector<16xi32>
      %add3A_279 = arith.addi %add3A_278, %shift_right_logical3A_87 : vector<16xi32>
      %gather3A_280 = tpu.vector_load_idx %arg7[%add3A_279, %and3A_89] : memref<448x8xf32, #tpu.memory_space<vmem>>[vector<16xi32>, vector<16xi32>], vector<16xf32>,
      %add3A_281 = arith.constant 62 : i32
      %add3A_282 = vector.broadcast %add3A_281 : i32 to vector<16xi32>
      %add3A_283 = arith.addi %add3A_282, %shift_right_logical3A_87 : vector<16xi32>
      %gather3A_284 = tpu.vector_load_idx %arg7[%add3A_283, %and3A_89] : memref<448x8xf32, #tpu.memory_space<vmem>>[vector<16xi32>, vector<16xi32>], vector<16xf32>,
      %add3A_285 = arith.constant 64 : i32
      %add3A_286 = vector.broadcast %add3A_285 : i32 to vector<16xi32>
      %add3A_287 = arith.addi %add3A_286, %shift_right_logical3A_87 : vector<16xi32>
      %gather3A_288 = tpu.vector_load_idx %arg7[%add3A_287, %and3A_89] : memref<448x8xf32, #tpu.memory_space<vmem>>[vector<16xi32>, vector<16xi32>], vector<16xf32>,
      %add3A_289 = arith.constant 66 : i32
      %add3A_290 = vector.broadcast %add3A_289 : i32 to vector<16xi32>
      %add3A_291 = arith.addi %add3A_290, %shift_right_logical3A_87 : vector<16xi32>
      %gather3A_292 = tpu.vector_load_idx %arg7[%add3A_291, %and3A_89] : memref<448x8xf32, #tpu.memory_space<vmem>>[vector<16xi32>, vector<16xi32>], vector<16xf32>,
      %add3A_293 = arith.constant 68 : i32
      %add3A_294 = vector.broadcast %add3A_293 : i32 to vector<16xi32>
      %add3A_295 = arith.addi %add3A_294, %shift_right_logical3A_87 : vector<16xi32>
      %gather3A_296 = tpu.vector_load_idx %arg7[%add3A_295, %and3A_89] : memref<448x8xf32, #tpu.memory_space<vmem>>[vector<16xi32>, vector<16xi32>], vector<16xf32>,
      %add3A_297 = arith.constant 70 : i32
      %add3A_298 = vector.broadcast %add3A_297 : i32 to vector<16xi32>
      %add3A_299 = arith.addi %add3A_298, %shift_right_logical3A_87 : vector<16xi32>
      %gather3A_300 = tpu.vector_load_idx %arg7[%add3A_299, %and3A_89] : memref<448x8xf32, #tpu.memory_space<vmem>>[vector<16xi32>, vector<16xi32>], vector<16xf32>,
      %add3A_301 = arith.constant 72 : i32
      %add3A_302 = vector.broadcast %add3A_301 : i32 to vector<16xi32>
      %add3A_303 = arith.addi %add3A_302, %shift_right_logical3A_87 : vector<16xi32>
      %gather3A_304 = tpu.vector_load_idx %arg7[%add3A_303, %and3A_89] : memref<448x8xf32, #tpu.memory_space<vmem>>[vector<16xi32>, vector<16xi32>], vector<16xf32>,
      %add3A_305 = arith.constant 74 : i32
      %add3A_306 = vector.broadcast %add3A_305 : i32 to vector<16xi32>
      %add3A_307 = arith.addi %add3A_306, %shift_right_logical3A_87 : vector<16xi32>
      %gather3A_308 = tpu.vector_load_idx %arg7[%add3A_307, %and3A_89] : memref<448x8xf32, #tpu.memory_space<vmem>>[vector<16xi32>, vector<16xi32>], vector<16xf32>,
      %add3A_309 = arith.constant 76 : i32
      %add3A_310 = vector.broadcast %add3A_309 : i32 to vector<16xi32>
      %add3A_311 = arith.addi %add3A_310, %shift_right_logical3A_87 : vector<16xi32>
      %gather3A_312 = tpu.vector_load_idx %arg7[%add3A_311, %and3A_89] : memref<448x8xf32, #tpu.memory_space<vmem>>[vector<16xi32>, vector<16xi32>], vector<16xf32>,
      %add3A_313 = arith.constant 78 : i32
      %add3A_314 = vector.broadcast %add3A_313 : i32 to vector<16xi32>
      %add3A_315 = arith.addi %add3A_314, %shift_right_logical3A_87 : vector<16xi32>
      %gather3A_316 = tpu.vector_load_idx %arg7[%add3A_315, %and3A_89] : memref<448x8xf32, #tpu.memory_space<vmem>>[vector<16xi32>, vector<16xi32>], vector<16xf32>,
      %add3A_317 = arith.constant 80 : i32
      %add3A_318 = vector.broadcast %add3A_317 : i32 to vector<16xi32>
      %add3A_319 = arith.addi %add3A_318, %shift_right_logical3A_87 : vector<16xi32>
      %gather3A_320 = tpu.vector_load_idx %arg7[%add3A_319, %and3A_89] : memref<448x8xf32, #tpu.memory_space<vmem>>[vector<16xi32>, vector<16xi32>], vector<16xf32>,
      %add3A_321 = arith.constant 82 : i32
      %add3A_322 = vector.broadcast %add3A_321 : i32 to vector<16xi32>
      %add3A_323 = arith.addi %add3A_322, %shift_right_logical3A_87 : vector<16xi32>
      %gather3A_324 = tpu.vector_load_idx %arg7[%add3A_323, %and3A_89] : memref<448x8xf32, #tpu.memory_space<vmem>>[vector<16xi32>, vector<16xi32>], vector<16xf32>,
      %add3A_325 = arith.constant 84 : i32
      %add3A_326 = vector.broadcast %add3A_325 : i32 to vector<16xi32>
      %add3A_327 = arith.addi %add3A_326, %shift_right_logical3A_87 : vector<16xi32>
      %gather3A_328 = tpu.vector_load_idx %arg7[%add3A_327, %and3A_89] : memref<448x8xf32, #tpu.memory_space<vmem>>[vector<16xi32>, vector<16xi32>], vector<16xf32>,
      %add3A_329 = arith.constant 86 : i32
      %add3A_330 = vector.broadcast %add3A_329 : i32 to vector<16xi32>
      %add3A_331 = arith.addi %add3A_330, %shift_right_logical3A_87 : vector<16xi32>
      %gather3A_332 = tpu.vector_load_idx %arg7[%add3A_331, %and3A_89] : memref<448x8xf32, #tpu.memory_space<vmem>>[vector<16xi32>, vector<16xi32>], vector<16xf32>,
      %add3A_333 = arith.constant 88 : i32
      %add3A_334 = vector.broadcast %add3A_333 : i32 to vector<16xi32>
      %add3A_335 = arith.addi %add3A_334, %shift_right_logical3A_87 : vector<16xi32>
      %gather3A_336 = tpu.vector_load_idx %arg7[%add3A_335, %and3A_89] : memref<448x8xf32, #tpu.memory_space<vmem>>[vector<16xi32>, vector<16xi32>], vector<16xf32>,
      %add3A_337 = arith.constant 90 : i32
      %add3A_338 = vector.broadcast %add3A_337 : i32 to vector<16xi32>
      %add3A_339 = arith.addi %add3A_338, %shift_right_logical3A_87 : vector<16xi32>
      %gather3A_340 = tpu.vector_load_idx %arg7[%add3A_339, %and3A_89] : memref<448x8xf32, #tpu.memory_space<vmem>>[vector<16xi32>, vector<16xi32>], vector<16xf32>,
      %add3A_341 = arith.constant 92 : i32
      %add3A_342 = vector.broadcast %add3A_341 : i32 to vector<16xi32>
      %add3A_343 = arith.addi %add3A_342, %shift_right_logical3A_87 : vector<16xi32>
      %gather3A_344 = tpu.vector_load_idx %arg7[%add3A_343, %and3A_89] : memref<448x8xf32, #tpu.memory_space<vmem>>[vector<16xi32>, vector<16xi32>], vector<16xf32>,
      %add3A_345 = arith.constant 94 : i32
      %add3A_346 = vector.broadcast %add3A_345 : i32 to vector<16xi32>
      %add3A_347 = arith.addi %add3A_346, %shift_right_logical3A_87 : vector<16xi32>
      %gather3A_348 = tpu.vector_load_idx %arg7[%add3A_347, %and3A_89] : memref<448x8xf32, #tpu.memory_space<vmem>>[vector<16xi32>, vector<16xi32>], vector<16xf32>,
      %add3A_349 = arith.constant 96 : i32
      %add3A_350 = vector.broadcast %add3A_349 : i32 to vector<16xi32>
      %add3A_351 = arith.addi %add3A_350, %shift_right_logical3A_87 : vector<16xi32>
      %gather3A_352 = tpu.vector_load_idx %arg7[%add3A_351, %and3A_89] : memref<448x8xf32, #tpu.memory_space<vmem>>[vector<16xi32>, vector<16xi32>], vector<16xf32>,
      %add3A_353 = arith.constant 98 : i32
      %add3A_354 = vector.broadcast %add3A_353 : i32 to vector<16xi32>
      %add3A_355 = arith.addi %add3A_354, %shift_right_logical3A_87 : vector<16xi32>
      %gather3A_356 = tpu.vector_load_idx %arg7[%add3A_355, %and3A_89] : memref<448x8xf32, #tpu.memory_space<vmem>>[vector<16xi32>, vector<16xi32>], vector<16xf32>,
      %add3A_357 = arith.constant 100 : i32
      %add3A_358 = vector.broadcast %add3A_357 : i32 to vector<16xi32>
      %add3A_359 = arith.addi %add3A_358, %shift_right_logical3A_87 : vector<16xi32>
      %gather3A_360 = tpu.vector_load_idx %arg7[%add3A_359, %and3A_89] : memref<448x8xf32, #tpu.memory_space<vmem>>[vector<16xi32>, vector<16xi32>], vector<16xf32>,
      %add3A_361 = arith.constant 102 : i32
      %add3A_362 = vector.broadcast %add3A_361 : i32 to vector<16xi32>
      %add3A_363 = arith.addi %add3A_362, %shift_right_logical3A_87 : vector<16xi32>
      %gather3A_364 = tpu.vector_load_idx %arg7[%add3A_363, %and3A_89] : memref<448x8xf32, #tpu.memory_space<vmem>>[vector<16xi32>, vector<16xi32>], vector<16xf32>,
      %add3A_365 = arith.constant 104 : i32
      %add3A_366 = vector.broadcast %add3A_365 : i32 to vector<16xi32>
      %add3A_367 = arith.addi %add3A_366, %shift_right_logical3A_87 : vector<16xi32>
      %gather3A_368 = tpu.vector_load_idx %arg7[%add3A_367, %and3A_89] : memref<448x8xf32, #tpu.memory_space<vmem>>[vector<16xi32>, vector<16xi32>], vector<16xf32>,
      %add3A_369 = arith.addf %gather3A_272, %gather3A_276 : vector<16xf32>
      %add3A_370 = arith.addf %gather3A_280, %gather3A_284 : vector<16xf32>
      %add3A_371 = arith.addf %gather3A_288, %gather3A_292 : vector<16xf32>
      %add3A_372 = arith.addf %gather3A_296, %gather3A_300 : vector<16xf32>
      %add3A_373 = arith.addf %gather3A_304, %gather3A_308 : vector<16xf32>
      %add3A_374 = arith.addf %gather3A_312, %gather3A_316 : vector<16xf32>
      %add3A_375 = arith.addf %gather3A_320, %gather3A_324 : vector<16xf32>
      %add3A_376 = arith.addf %gather3A_328, %gather3A_332 : vector<16xf32>
      %add3A_377 = arith.addf %gather3A_336, %gather3A_340 : vector<16xf32>
      %add3A_378 = arith.addf %gather3A_344, %gather3A_348 : vector<16xf32>
      %add3A_379 = arith.addf %gather3A_352, %gather3A_356 : vector<16xf32>
      %add3A_380 = arith.addf %gather3A_360, %gather3A_364 : vector<16xf32>
      %add3A_381 = arith.addf %add3A_369, %add3A_370 : vector<16xf32>
      %add3A_382 = arith.addf %add3A_371, %add3A_372 : vector<16xf32>
      %add3A_383 = arith.addf %add3A_373, %add3A_374 : vector<16xf32>
      %add3A_384 = arith.addf %add3A_375, %add3A_376 : vector<16xf32>
      %add3A_385 = arith.addf %add3A_377, %add3A_378 : vector<16xf32>
      %add3A_386 = arith.addf %add3A_379, %add3A_380 : vector<16xf32>
      %add3A_387 = arith.addf %add3A_381, %add3A_382 : vector<16xf32>
      %add3A_388 = arith.addf %add3A_383, %add3A_384 : vector<16xf32>
      %add3A_389 = arith.addf %add3A_385, %add3A_386 : vector<16xf32>
      %add3A_390 = arith.addf %add3A_387, %add3A_388 : vector<16xf32>
      %add3A_391 = arith.addf %add3A_389, %gather3A_368 : vector<16xf32>
      %add3A_392 = arith.addf %add3A_390, %add3A_391 : vector<16xf32>
      %lt3A_393 = arith.constant 0 : i32
      %lt3A_394 = vector.broadcast %lt3A_393 : i32 to vector<16xi32>
      %lt3A_395 = arith.cmpi slt, %and3A_95, %lt3A_394 : vector<16xi32>
      %add3A_396 = arith.constant 16 : i32
      %add3A_397 = vector.broadcast %add3A_396 : i32 to vector<16xi32>
      %add3A_398 = arith.addi %and3A_95, %add3A_397 : vector<16xi32>
      %select_n3A_399 = arith.select %lt3A_395, %add3A_398, %and3A_95 : vector<16xi1>, vector<16xi32>
      %broadcast_in_dim3A_400 = vector.shape_cast %select_n3A_399 : vector<16xi32> to vector<16x1xi32>
      %gather3A_401 = vector.shape_cast %broadcast_in_dim3A_400 : vector<16x1xi32> to vector<16xi32>
      %gather3A_402 = tpu.dynamic_gather %add3A_392[%gather3A_401] in [0] : vector<16xf32>, vector<16xi32> -> vector<16xf32>
      %add3A_403 = arith.addf %add3A_392, %gather3A_402 : vector<16xf32>
      %get3A_404 = arith.constant 0 : index
      %get3A_405 = tpu.vector_load %arg9[%get3A_404] {strides = array<i32>} : memref<16xf32, #tpu.memory_space<vmem>>, vector<16xf32>,
      %add3A_406 = arith.addf %add3A_403, %get3A_405 : vector<16xf32>
      %swap3A_407 = arith.index_cast %add3A_258 : i32 to index
      %swap3A_408 = arith.constant 0 : index
      %swap3A_409 = tpu.vector_load %arg8[%swap3A_407, %swap3A_408] {strides = array<i32>} : memref<512x16xf32, #tpu.memory_space<vmem>>, vector<16xf32>,
      tpu.vector_store %arg8[%swap3A_407, %swap3A_408], %add3A_406 {strides = array<i32>} : memref<512x16xf32, #tpu.memory_space<vmem>>, vector<16xf32>,
      %add3A_410 = arith.constant 8 : i32
      %add3A_411 = arith.addi %add3A_258, %add3A_410 : i32
      %lt3A_412 = arith.constant 512 : i32
      %lt3A_413 = arith.cmpi slt, %add3A_411, %lt3A_412 : i32
      %convert_element_type3A_414 = arith.extui %lt3A_413 : i1 to i32
      %cond3A_415 = arith.constant 0 : i32
      %cond3A_416 = arith.cmpi ne, %convert_element_type3A_414, %cond3A_415 : i32
      scf.if %cond3A_416 {
        %add3A_1389 = arith.constant 8 : i32
        %add3A_1390 = arith.addi %add3A_258, %add3A_1389 : i32
        %dma_start3A_1391 = arith.constant 56 : i32
        %dma_start3A_1392 = arith.constant 0 : i32
        %dma_start3A_1393 = tpu.memref_slice %arg7[%dma_start3A_1391, %dma_start3A_1392] : memref<448x8xf32, #tpu.memory_space<vmem>> -> memref<56x8xf32, #tpu.memory_space<vmem>>
        %dma_start3A_1394 = arith.constant 0 : i32
        %dma_start3A_1395 = tpu.memref_slice %arg6[%add3A_1390, %dma_start3A_1394] : memref<512x128xi32, #tpu.memory_space<vmem>> -> memref<1x56xi32, #tpu.memory_space<vmem>>
        %dma_start3A_1396 = tpu.memref_squeeze %dma_start3A_1395 : memref<1x56xi32, #tpu.memory_space<vmem>> -> memref<56xi32, #tpu.memory_space<vmem>>
        %dma_start3A_1397 = arith.constant 0 : i32
        %dma_start3A_1398 = arith.constant 0 : i32
        %dma_start3A_1399 = tpu.memref_slice %arg10[%dma_start3A_1397, %dma_start3A_1398] : memref<100000x8xf32, #tpu.memory_space<vmem_shared>> -> memref<100000x8xf32, #tpu.memory_space<vmem_shared>>
        tpu.enqueue_indirect_dma source(%dma_start3A_1399 : memref<100000x8xf32, #tpu.memory_space<vmem_shared>>) target(%dma_start3A_1393 : memref<56x8xf32, #tpu.memory_space<vmem>>) offsets(%dma_start3A_1396 : memref<56xi32, #tpu.memory_space<vmem>>) semaphore(%arg13 : memref<!tpu.dma_semaphore, #tpu.memory_space<semaphore_mem>>)
      } else {
      }
      %mul3A_417 = arith.constant 8 : i32
      %mul3A_418 = arith.muli %scan3A_101, %mul3A_417 : i32
      %add3A_419 = arith.constant 2 : i32
      %add3A_420 = arith.addi %mul3A_418, %add3A_419 : i32
      %dma_wait3A_421 = arith.constant 2 : i32
      %dma_wait3A_422 = arith.constant 112 : i32
      %dma_wait3A_423 = arith.constant 0 : i32
      %dma_wait3A_424 = tpu.memref_slice %arg7[%dma_wait3A_422, %dma_wait3A_423] : memref<448x8xf32, #tpu.memory_space<vmem>> -> memref<56x8xf32, #tpu.memory_space<vmem>>
      %dma_wait3A_425 = arith.constant 0 : i32
      %dma_wait3A_426 = tpu.memref_slice %arg6[%dma_wait3A_421, %dma_wait3A_425] : memref<512x128xi32, #tpu.memory_space<vmem>> -> memref<1x56xi32, #tpu.memory_space<vmem>>
      %dma_wait3A_427 = tpu.memref_squeeze %dma_wait3A_426 : memref<1x56xi32, #tpu.memory_space<vmem>> -> memref<56xi32, #tpu.memory_space<vmem>>
      %dma_wait3A_428 = arith.constant 0 : i32
      %dma_wait3A_429 = arith.constant 0 : i32
      %dma_wait3A_430 = tpu.memref_slice %arg10[%dma_wait3A_428, %dma_wait3A_429] : memref<100000x8xf32, #tpu.memory_space<vmem_shared>> -> memref<100000x8xf32, #tpu.memory_space<vmem_shared>>
      tpu.wait_indirect_dma semaphore(%arg14 : memref<!tpu.dma_semaphore, #tpu.memory_space<semaphore_mem>>) src(%dma_wait3A_430 : memref<100000x8xf32, #tpu.memory_space<vmem_shared>>) dst(%dma_wait3A_424 : memref<56x8xf32, #tpu.memory_space<vmem>>)
      %add3A_431 = arith.constant 112 : i32
      %add3A_432 = vector.broadcast %add3A_431 : i32 to vector<16xi32>
      %add3A_433 = arith.addi %add3A_432, %shift_right_logical3A_87 : vector<16xi32>
      %gather3A_434 = tpu.vector_load_idx %arg7[%add3A_433, %and3A_89] : memref<448x8xf32, #tpu.memory_space<vmem>>[vector<16xi32>, vector<16xi32>], vector<16xf32>,
      %add3A_435 = arith.constant 114 : i32
      %add3A_436 = vector.broadcast %add3A_435 : i32 to vector<16xi32>
      %add3A_437 = arith.addi %add3A_436, %shift_right_logical3A_87 : vector<16xi32>
      %gather3A_438 = tpu.vector_load_idx %arg7[%add3A_437, %and3A_89] : memref<448x8xf32, #tpu.memory_space<vmem>>[vector<16xi32>, vector<16xi32>], vector<16xf32>,
      %add3A_439 = arith.constant 116 : i32
      %add3A_440 = vector.broadcast %add3A_439 : i32 to vector<16xi32>
      %add3A_441 = arith.addi %add3A_440, %shift_right_logical3A_87 : vector<16xi32>
      %gather3A_442 = tpu.vector_load_idx %arg7[%add3A_441, %and3A_89] : memref<448x8xf32, #tpu.memory_space<vmem>>[vector<16xi32>, vector<16xi32>], vector<16xf32>,
      %add3A_443 = arith.constant 118 : i32
      %add3A_444 = vector.broadcast %add3A_443 : i32 to vector<16xi32>
      %add3A_445 = arith.addi %add3A_444, %shift_right_logical3A_87 : vector<16xi32>
      %gather3A_446 = tpu.vector_load_idx %arg7[%add3A_445, %and3A_89] : memref<448x8xf32, #tpu.memory_space<vmem>>[vector<16xi32>, vector<16xi32>], vector<16xf32>,
      %add3A_447 = arith.constant 120 : i32
      %add3A_448 = vector.broadcast %add3A_447 : i32 to vector<16xi32>
      %add3A_449 = arith.addi %add3A_448, %shift_right_logical3A_87 : vector<16xi32>
      %gather3A_450 = tpu.vector_load_idx %arg7[%add3A_449, %and3A_89] : memref<448x8xf32, #tpu.memory_space<vmem>>[vector<16xi32>, vector<16xi32>], vector<16xf32>,
      %add3A_451 = arith.constant 122 : i32
      %add3A_452 = vector.broadcast %add3A_451 : i32 to vector<16xi32>
      %add3A_453 = arith.addi %add3A_452, %shift_right_logical3A_87 : vector<16xi32>
      %gather3A_454 = tpu.vector_load_idx %arg7[%add3A_453, %and3A_89] : memref<448x8xf32, #tpu.memory_space<vmem>>[vector<16xi32>, vector<16xi32>], vector<16xf32>,
      %add3A_455 = arith.constant 124 : i32
      %add3A_456 = vector.broadcast %add3A_455 : i32 to vector<16xi32>
      %add3A_457 = arith.addi %add3A_456, %shift_right_logical3A_87 : vector<16xi32>
      %gather3A_458 = tpu.vector_load_idx %arg7[%add3A_457, %and3A_89] : memref<448x8xf32, #tpu.memory_space<vmem>>[vector<16xi32>, vector<16xi32>], vector<16xf32>,
      %add3A_459 = arith.constant 126 : i32
      %add3A_460 = vector.broadcast %add3A_459 : i32 to vector<16xi32>
      %add3A_461 = arith.addi %add3A_460, %shift_right_logical3A_87 : vector<16xi32>
      %gather3A_462 = tpu.vector_load_idx %arg7[%add3A_461, %and3A_89] : memref<448x8xf32, #tpu.memory_space<vmem>>[vector<16xi32>, vector<16xi32>], vector<16xf32>,
      %add3A_463 = arith.constant 128 : i32
      %add3A_464 = vector.broadcast %add3A_463 : i32 to vector<16xi32>
      %add3A_465 = arith.addi %add3A_464, %shift_right_logical3A_87 : vector<16xi32>
      %gather3A_466 = tpu.vector_load_idx %arg7[%add3A_465, %and3A_89] : memref<448x8xf32, #tpu.memory_space<vmem>>[vector<16xi32>, vector<16xi32>], vector<16xf32>,
      %add3A_467 = arith.constant 130 : i32
      %add3A_468 = vector.broadcast %add3A_467 : i32 to vector<16xi32>
      %add3A_469 = arith.addi %add3A_468, %shift_right_logical3A_87 : vector<16xi32>
      %gather3A_470 = tpu.vector_load_idx %arg7[%add3A_469, %and3A_89] : memref<448x8xf32, #tpu.memory_space<vmem>>[vector<16xi32>, vector<16xi32>], vector<16xf32>,
      %add3A_471 = arith.constant 132 : i32
      %add3A_472 = vector.broadcast %add3A_471 : i32 to vector<16xi32>
      %add3A_473 = arith.addi %add3A_472, %shift_right_logical3A_87 : vector<16xi32>
      %gather3A_474 = tpu.vector_load_idx %arg7[%add3A_473, %and3A_89] : memref<448x8xf32, #tpu.memory_space<vmem>>[vector<16xi32>, vector<16xi32>], vector<16xf32>,
      %add3A_475 = arith.constant 134 : i32
      %add3A_476 = vector.broadcast %add3A_475 : i32 to vector<16xi32>
      %add3A_477 = arith.addi %add3A_476, %shift_right_logical3A_87 : vector<16xi32>
      %gather3A_478 = tpu.vector_load_idx %arg7[%add3A_477, %and3A_89] : memref<448x8xf32, #tpu.memory_space<vmem>>[vector<16xi32>, vector<16xi32>], vector<16xf32>,
      %add3A_479 = arith.constant 136 : i32
      %add3A_480 = vector.broadcast %add3A_479 : i32 to vector<16xi32>
      %add3A_481 = arith.addi %add3A_480, %shift_right_logical3A_87 : vector<16xi32>
      %gather3A_482 = tpu.vector_load_idx %arg7[%add3A_481, %and3A_89] : memref<448x8xf32, #tpu.memory_space<vmem>>[vector<16xi32>, vector<16xi32>], vector<16xf32>,
      %add3A_483 = arith.constant 138 : i32
      %add3A_484 = vector.broadcast %add3A_483 : i32 to vector<16xi32>
      %add3A_485 = arith.addi %add3A_484, %shift_right_logical3A_87 : vector<16xi32>
      %gather3A_486 = tpu.vector_load_idx %arg7[%add3A_485, %and3A_89] : memref<448x8xf32, #tpu.memory_space<vmem>>[vector<16xi32>, vector<16xi32>], vector<16xf32>,
      %add3A_487 = arith.constant 140 : i32
      %add3A_488 = vector.broadcast %add3A_487 : i32 to vector<16xi32>
      %add3A_489 = arith.addi %add3A_488, %shift_right_logical3A_87 : vector<16xi32>
      %gather3A_490 = tpu.vector_load_idx %arg7[%add3A_489, %and3A_89] : memref<448x8xf32, #tpu.memory_space<vmem>>[vector<16xi32>, vector<16xi32>], vector<16xf32>,
      %add3A_491 = arith.constant 142 : i32
      %add3A_492 = vector.broadcast %add3A_491 : i32 to vector<16xi32>
      %add3A_493 = arith.addi %add3A_492, %shift_right_logical3A_87 : vector<16xi32>
      %gather3A_494 = tpu.vector_load_idx %arg7[%add3A_493, %and3A_89] : memref<448x8xf32, #tpu.memory_space<vmem>>[vector<16xi32>, vector<16xi32>], vector<16xf32>,
      %add3A_495 = arith.constant 144 : i32
      %add3A_496 = vector.broadcast %add3A_495 : i32 to vector<16xi32>
      %add3A_497 = arith.addi %add3A_496, %shift_right_logical3A_87 : vector<16xi32>
      %gather3A_498 = tpu.vector_load_idx %arg7[%add3A_497, %and3A_89] : memref<448x8xf32, #tpu.memory_space<vmem>>[vector<16xi32>, vector<16xi32>], vector<16xf32>,
      %add3A_499 = arith.constant 146 : i32
      %add3A_500 = vector.broadcast %add3A_499 : i32 to vector<16xi32>
      %add3A_501 = arith.addi %add3A_500, %shift_right_logical3A_87 : vector<16xi32>
      %gather3A_502 = tpu.vector_load_idx %arg7[%add3A_501, %and3A_89] : memref<448x8xf32, #tpu.memory_space<vmem>>[vector<16xi32>, vector<16xi32>], vector<16xf32>,
      %add3A_503 = arith.constant 148 : i32
      %add3A_504 = vector.broadcast %add3A_503 : i32 to vector<16xi32>
      %add3A_505 = arith.addi %add3A_504, %shift_right_logical3A_87 : vector<16xi32>
      %gather3A_506 = tpu.vector_load_idx %arg7[%add3A_505, %and3A_89] : memref<448x8xf32, #tpu.memory_space<vmem>>[vector<16xi32>, vector<16xi32>], vector<16xf32>,
      %add3A_507 = arith.constant 150 : i32
      %add3A_508 = vector.broadcast %add3A_507 : i32 to vector<16xi32>
      %add3A_509 = arith.addi %add3A_508, %shift_right_logical3A_87 : vector<16xi32>
      %gather3A_510 = tpu.vector_load_idx %arg7[%add3A_509, %and3A_89] : memref<448x8xf32, #tpu.memory_space<vmem>>[vector<16xi32>, vector<16xi32>], vector<16xf32>,
      %add3A_511 = arith.constant 152 : i32
      %add3A_512 = vector.broadcast %add3A_511 : i32 to vector<16xi32>
      %add3A_513 = arith.addi %add3A_512, %shift_right_logical3A_87 : vector<16xi32>
      %gather3A_514 = tpu.vector_load_idx %arg7[%add3A_513, %and3A_89] : memref<448x8xf32, #tpu.memory_space<vmem>>[vector<16xi32>, vector<16xi32>], vector<16xf32>,
      %add3A_515 = arith.constant 154 : i32
      %add3A_516 = vector.broadcast %add3A_515 : i32 to vector<16xi32>
      %add3A_517 = arith.addi %add3A_516, %shift_right_logical3A_87 : vector<16xi32>
      %gather3A_518 = tpu.vector_load_idx %arg7[%add3A_517, %and3A_89] : memref<448x8xf32, #tpu.memory_space<vmem>>[vector<16xi32>, vector<16xi32>], vector<16xf32>,
      %add3A_519 = arith.constant 156 : i32
      %add3A_520 = vector.broadcast %add3A_519 : i32 to vector<16xi32>
      %add3A_521 = arith.addi %add3A_520, %shift_right_logical3A_87 : vector<16xi32>
      %gather3A_522 = tpu.vector_load_idx %arg7[%add3A_521, %and3A_89] : memref<448x8xf32, #tpu.memory_space<vmem>>[vector<16xi32>, vector<16xi32>], vector<16xf32>,
      %add3A_523 = arith.constant 158 : i32
      %add3A_524 = vector.broadcast %add3A_523 : i32 to vector<16xi32>
      %add3A_525 = arith.addi %add3A_524, %shift_right_logical3A_87 : vector<16xi32>
      %gather3A_526 = tpu.vector_load_idx %arg7[%add3A_525, %and3A_89] : memref<448x8xf32, #tpu.memory_space<vmem>>[vector<16xi32>, vector<16xi32>], vector<16xf32>,
      %add3A_527 = arith.constant 160 : i32
      %add3A_528 = vector.broadcast %add3A_527 : i32 to vector<16xi32>
      %add3A_529 = arith.addi %add3A_528, %shift_right_logical3A_87 : vector<16xi32>
      %gather3A_530 = tpu.vector_load_idx %arg7[%add3A_529, %and3A_89] : memref<448x8xf32, #tpu.memory_space<vmem>>[vector<16xi32>, vector<16xi32>], vector<16xf32>,
      %add3A_531 = arith.addf %gather3A_434, %gather3A_438 : vector<16xf32>
      %add3A_532 = arith.addf %gather3A_442, %gather3A_446 : vector<16xf32>
      %add3A_533 = arith.addf %gather3A_450, %gather3A_454 : vector<16xf32>
      %add3A_534 = arith.addf %gather3A_458, %gather3A_462 : vector<16xf32>
      %add3A_535 = arith.addf %gather3A_466, %gather3A_470 : vector<16xf32>
      %add3A_536 = arith.addf %gather3A_474, %gather3A_478 : vector<16xf32>
      %add3A_537 = arith.addf %gather3A_482, %gather3A_486 : vector<16xf32>
      %add3A_538 = arith.addf %gather3A_490, %gather3A_494 : vector<16xf32>
      %add3A_539 = arith.addf %gather3A_498, %gather3A_502 : vector<16xf32>
      %add3A_540 = arith.addf %gather3A_506, %gather3A_510 : vector<16xf32>
      %add3A_541 = arith.addf %gather3A_514, %gather3A_518 : vector<16xf32>
      %add3A_542 = arith.addf %gather3A_522, %gather3A_526 : vector<16xf32>
      %add3A_543 = arith.addf %add3A_531, %add3A_532 : vector<16xf32>
      %add3A_544 = arith.addf %add3A_533, %add3A_534 : vector<16xf32>
      %add3A_545 = arith.addf %add3A_535, %add3A_536 : vector<16xf32>
      %add3A_546 = arith.addf %add3A_537, %add3A_538 : vector<16xf32>
      %add3A_547 = arith.addf %add3A_539, %add3A_540 : vector<16xf32>
      %add3A_548 = arith.addf %add3A_541, %add3A_542 : vector<16xf32>
      %add3A_549 = arith.addf %add3A_543, %add3A_544 : vector<16xf32>
      %add3A_550 = arith.addf %add3A_545, %add3A_546 : vector<16xf32>
      %add3A_551 = arith.addf %add3A_547, %add3A_548 : vector<16xf32>
      %add3A_552 = arith.addf %add3A_549, %add3A_550 : vector<16xf32>
      %add3A_553 = arith.addf %add3A_551, %gather3A_530 : vector<16xf32>
      %add3A_554 = arith.addf %add3A_552, %add3A_553 : vector<16xf32>
      %lt3A_555 = arith.constant 0 : i32
      %lt3A_556 = vector.broadcast %lt3A_555 : i32 to vector<16xi32>
      %lt3A_557 = arith.cmpi slt, %and3A_95, %lt3A_556 : vector<16xi32>
      %add3A_558 = arith.constant 16 : i32
      %add3A_559 = vector.broadcast %add3A_558 : i32 to vector<16xi32>
      %add3A_560 = arith.addi %and3A_95, %add3A_559 : vector<16xi32>
      %select_n3A_561 = arith.select %lt3A_557, %add3A_560, %and3A_95 : vector<16xi1>, vector<16xi32>
      %broadcast_in_dim3A_562 = vector.shape_cast %select_n3A_561 : vector<16xi32> to vector<16x1xi32>
      %gather3A_563 = vector.shape_cast %broadcast_in_dim3A_562 : vector<16x1xi32> to vector<16xi32>
      %gather3A_564 = tpu.dynamic_gather %add3A_554[%gather3A_563] in [0] : vector<16xf32>, vector<16xi32> -> vector<16xf32>
      %add3A_565 = arith.addf %add3A_554, %gather3A_564 : vector<16xf32>
      %get3A_566 = arith.constant 0 : index
      %get3A_567 = tpu.vector_load %arg9[%get3A_566] {strides = array<i32>} : memref<16xf32, #tpu.memory_space<vmem>>, vector<16xf32>,
      %add3A_568 = arith.addf %add3A_565, %get3A_567 : vector<16xf32>
      %swap3A_569 = arith.index_cast %add3A_420 : i32 to index
      %swap3A_570 = arith.constant 0 : index
      %swap3A_571 = tpu.vector_load %arg8[%swap3A_569, %swap3A_570] {strides = array<i32>} : memref<512x16xf32, #tpu.memory_space<vmem>>, vector<16xf32>,
      tpu.vector_store %arg8[%swap3A_569, %swap3A_570], %add3A_568 {strides = array<i32>} : memref<512x16xf32, #tpu.memory_space<vmem>>, vector<16xf32>,
      %add3A_572 = arith.constant 8 : i32
      %add3A_573 = arith.addi %add3A_420, %add3A_572 : i32
      %lt3A_574 = arith.constant 512 : i32
      %lt3A_575 = arith.cmpi slt, %add3A_573, %lt3A_574 : i32
      %convert_element_type3A_576 = arith.extui %lt3A_575 : i1 to i32
      %cond3A_577 = arith.constant 0 : i32
      %cond3A_578 = arith.cmpi ne, %convert_element_type3A_576, %cond3A_577 : i32
      scf.if %cond3A_578 {
        %add3A_1389 = arith.constant 8 : i32
        %add3A_1390 = arith.addi %add3A_420, %add3A_1389 : i32
        %dma_start3A_1391 = arith.constant 112 : i32
        %dma_start3A_1392 = arith.constant 0 : i32
        %dma_start3A_1393 = tpu.memref_slice %arg7[%dma_start3A_1391, %dma_start3A_1392] : memref<448x8xf32, #tpu.memory_space<vmem>> -> memref<56x8xf32, #tpu.memory_space<vmem>>
        %dma_start3A_1394 = arith.constant 0 : i32
        %dma_start3A_1395 = tpu.memref_slice %arg6[%add3A_1390, %dma_start3A_1394] : memref<512x128xi32, #tpu.memory_space<vmem>> -> memref<1x56xi32, #tpu.memory_space<vmem>>
        %dma_start3A_1396 = tpu.memref_squeeze %dma_start3A_1395 : memref<1x56xi32, #tpu.memory_space<vmem>> -> memref<56xi32, #tpu.memory_space<vmem>>
        %dma_start3A_1397 = arith.constant 0 : i32
        %dma_start3A_1398 = arith.constant 0 : i32
        %dma_start3A_1399 = tpu.memref_slice %arg10[%dma_start3A_1397, %dma_start3A_1398] : memref<100000x8xf32, #tpu.memory_space<vmem_shared>> -> memref<100000x8xf32, #tpu.memory_space<vmem_shared>>
        tpu.enqueue_indirect_dma source(%dma_start3A_1399 : memref<100000x8xf32, #tpu.memory_space<vmem_shared>>) target(%dma_start3A_1393 : memref<56x8xf32, #tpu.memory_space<vmem>>) offsets(%dma_start3A_1396 : memref<56xi32, #tpu.memory_space<vmem>>) semaphore(%arg14 : memref<!tpu.dma_semaphore, #tpu.memory_space<semaphore_mem>>)
      } else {
      }
      %mul3A_579 = arith.constant 8 : i32
      %mul3A_580 = arith.muli %scan3A_101, %mul3A_579 : i32
      %add3A_581 = arith.constant 3 : i32
      %add3A_582 = arith.addi %mul3A_580, %add3A_581 : i32
      %dma_wait3A_583 = arith.constant 3 : i32
      %dma_wait3A_584 = arith.constant 168 : i32
      %dma_wait3A_585 = arith.constant 0 : i32
      %dma_wait3A_586 = tpu.memref_slice %arg7[%dma_wait3A_584, %dma_wait3A_585] : memref<448x8xf32, #tpu.memory_space<vmem>> -> memref<56x8xf32, #tpu.memory_space<vmem>>
      %dma_wait3A_587 = arith.constant 0 : i32
      %dma_wait3A_588 = tpu.memref_slice %arg6[%dma_wait3A_583, %dma_wait3A_587] : memref<512x128xi32, #tpu.memory_space<vmem>> -> memref<1x56xi32, #tpu.memory_space<vmem>>
      %dma_wait3A_589 = tpu.memref_squeeze %dma_wait3A_588 : memref<1x56xi32, #tpu.memory_space<vmem>> -> memref<56xi32, #tpu.memory_space<vmem>>
      %dma_wait3A_590 = arith.constant 0 : i32
      %dma_wait3A_591 = arith.constant 0 : i32
      %dma_wait3A_592 = tpu.memref_slice %arg10[%dma_wait3A_590, %dma_wait3A_591] : memref<100000x8xf32, #tpu.memory_space<vmem_shared>> -> memref<100000x8xf32, #tpu.memory_space<vmem_shared>>
      tpu.wait_indirect_dma semaphore(%arg15 : memref<!tpu.dma_semaphore, #tpu.memory_space<semaphore_mem>>) src(%dma_wait3A_592 : memref<100000x8xf32, #tpu.memory_space<vmem_shared>>) dst(%dma_wait3A_586 : memref<56x8xf32, #tpu.memory_space<vmem>>)
      %add3A_593 = arith.constant 168 : i32
      %add3A_594 = vector.broadcast %add3A_593 : i32 to vector<16xi32>
      %add3A_595 = arith.addi %add3A_594, %shift_right_logical3A_87 : vector<16xi32>
      %gather3A_596 = tpu.vector_load_idx %arg7[%add3A_595, %and3A_89] : memref<448x8xf32, #tpu.memory_space<vmem>>[vector<16xi32>, vector<16xi32>], vector<16xf32>,
      %add3A_597 = arith.constant 170 : i32
      %add3A_598 = vector.broadcast %add3A_597 : i32 to vector<16xi32>
      %add3A_599 = arith.addi %add3A_598, %shift_right_logical3A_87 : vector<16xi32>
      %gather3A_600 = tpu.vector_load_idx %arg7[%add3A_599, %and3A_89] : memref<448x8xf32, #tpu.memory_space<vmem>>[vector<16xi32>, vector<16xi32>], vector<16xf32>,
      %add3A_601 = arith.constant 172 : i32
      %add3A_602 = vector.broadcast %add3A_601 : i32 to vector<16xi32>
      %add3A_603 = arith.addi %add3A_602, %shift_right_logical3A_87 : vector<16xi32>
      %gather3A_604 = tpu.vector_load_idx %arg7[%add3A_603, %and3A_89] : memref<448x8xf32, #tpu.memory_space<vmem>>[vector<16xi32>, vector<16xi32>], vector<16xf32>,
      %add3A_605 = arith.constant 174 : i32
      %add3A_606 = vector.broadcast %add3A_605 : i32 to vector<16xi32>
      %add3A_607 = arith.addi %add3A_606, %shift_right_logical3A_87 : vector<16xi32>
      %gather3A_608 = tpu.vector_load_idx %arg7[%add3A_607, %and3A_89] : memref<448x8xf32, #tpu.memory_space<vmem>>[vector<16xi32>, vector<16xi32>], vector<16xf32>,
      %add3A_609 = arith.constant 176 : i32
      %add3A_610 = vector.broadcast %add3A_609 : i32 to vector<16xi32>
      %add3A_611 = arith.addi %add3A_610, %shift_right_logical3A_87 : vector<16xi32>
      %gather3A_612 = tpu.vector_load_idx %arg7[%add3A_611, %and3A_89] : memref<448x8xf32, #tpu.memory_space<vmem>>[vector<16xi32>, vector<16xi32>], vector<16xf32>,
      %add3A_613 = arith.constant 178 : i32
      %add3A_614 = vector.broadcast %add3A_613 : i32 to vector<16xi32>
      %add3A_615 = arith.addi %add3A_614, %shift_right_logical3A_87 : vector<16xi32>
      %gather3A_616 = tpu.vector_load_idx %arg7[%add3A_615, %and3A_89] : memref<448x8xf32, #tpu.memory_space<vmem>>[vector<16xi32>, vector<16xi32>], vector<16xf32>,
      %add3A_617 = arith.constant 180 : i32
      %add3A_618 = vector.broadcast %add3A_617 : i32 to vector<16xi32>
      %add3A_619 = arith.addi %add3A_618, %shift_right_logical3A_87 : vector<16xi32>
      %gather3A_620 = tpu.vector_load_idx %arg7[%add3A_619, %and3A_89] : memref<448x8xf32, #tpu.memory_space<vmem>>[vector<16xi32>, vector<16xi32>], vector<16xf32>,
      %add3A_621 = arith.constant 182 : i32
      %add3A_622 = vector.broadcast %add3A_621 : i32 to vector<16xi32>
      %add3A_623 = arith.addi %add3A_622, %shift_right_logical3A_87 : vector<16xi32>
      %gather3A_624 = tpu.vector_load_idx %arg7[%add3A_623, %and3A_89] : memref<448x8xf32, #tpu.memory_space<vmem>>[vector<16xi32>, vector<16xi32>], vector<16xf32>,
      %add3A_625 = arith.constant 184 : i32
      %add3A_626 = vector.broadcast %add3A_625 : i32 to vector<16xi32>
      %add3A_627 = arith.addi %add3A_626, %shift_right_logical3A_87 : vector<16xi32>
      %gather3A_628 = tpu.vector_load_idx %arg7[%add3A_627, %and3A_89] : memref<448x8xf32, #tpu.memory_space<vmem>>[vector<16xi32>, vector<16xi32>], vector<16xf32>,
      %add3A_629 = arith.constant 186 : i32
      %add3A_630 = vector.broadcast %add3A_629 : i32 to vector<16xi32>
      %add3A_631 = arith.addi %add3A_630, %shift_right_logical3A_87 : vector<16xi32>
      %gather3A_632 = tpu.vector_load_idx %arg7[%add3A_631, %and3A_89] : memref<448x8xf32, #tpu.memory_space<vmem>>[vector<16xi32>, vector<16xi32>], vector<16xf32>,
      %add3A_633 = arith.constant 188 : i32
      %add3A_634 = vector.broadcast %add3A_633 : i32 to vector<16xi32>
      %add3A_635 = arith.addi %add3A_634, %shift_right_logical3A_87 : vector<16xi32>
      %gather3A_636 = tpu.vector_load_idx %arg7[%add3A_635, %and3A_89] : memref<448x8xf32, #tpu.memory_space<vmem>>[vector<16xi32>, vector<16xi32>], vector<16xf32>,
      %add3A_637 = arith.constant 190 : i32
      %add3A_638 = vector.broadcast %add3A_637 : i32 to vector<16xi32>
      %add3A_639 = arith.addi %add3A_638, %shift_right_logical3A_87 : vector<16xi32>
      %gather3A_640 = tpu.vector_load_idx %arg7[%add3A_639, %and3A_89] : memref<448x8xf32, #tpu.memory_space<vmem>>[vector<16xi32>, vector<16xi32>], vector<16xf32>,
      %add3A_641 = arith.constant 192 : i32
      %add3A_642 = vector.broadcast %add3A_641 : i32 to vector<16xi32>
      %add3A_643 = arith.addi %add3A_642, %shift_right_logical3A_87 : vector<16xi32>
      %gather3A_644 = tpu.vector_load_idx %arg7[%add3A_643, %and3A_89] : memref<448x8xf32, #tpu.memory_space<vmem>>[vector<16xi32>, vector<16xi32>], vector<16xf32>,
      %add3A_645 = arith.constant 194 : i32
      %add3A_646 = vector.broadcast %add3A_645 : i32 to vector<16xi32>
      %add3A_647 = arith.addi %add3A_646, %shift_right_logical3A_87 : vector<16xi32>
      %gather3A_648 = tpu.vector_load_idx %arg7[%add3A_647, %and3A_89] : memref<448x8xf32, #tpu.memory_space<vmem>>[vector<16xi32>, vector<16xi32>], vector<16xf32>,
      %add3A_649 = arith.constant 196 : i32
      %add3A_650 = vector.broadcast %add3A_649 : i32 to vector<16xi32>
      %add3A_651 = arith.addi %add3A_650, %shift_right_logical3A_87 : vector<16xi32>
      %gather3A_652 = tpu.vector_load_idx %arg7[%add3A_651, %and3A_89] : memref<448x8xf32, #tpu.memory_space<vmem>>[vector<16xi32>, vector<16xi32>], vector<16xf32>,
      %add3A_653 = arith.constant 198 : i32
      %add3A_654 = vector.broadcast %add3A_653 : i32 to vector<16xi32>
      %add3A_655 = arith.addi %add3A_654, %shift_right_logical3A_87 : vector<16xi32>
      %gather3A_656 = tpu.vector_load_idx %arg7[%add3A_655, %and3A_89] : memref<448x8xf32, #tpu.memory_space<vmem>>[vector<16xi32>, vector<16xi32>], vector<16xf32>,
      %add3A_657 = arith.constant 200 : i32
      %add3A_658 = vector.broadcast %add3A_657 : i32 to vector<16xi32>
      %add3A_659 = arith.addi %add3A_658, %shift_right_logical3A_87 : vector<16xi32>
      %gather3A_660 = tpu.vector_load_idx %arg7[%add3A_659, %and3A_89] : memref<448x8xf32, #tpu.memory_space<vmem>>[vector<16xi32>, vector<16xi32>], vector<16xf32>,
      %add3A_661 = arith.constant 202 : i32
      %add3A_662 = vector.broadcast %add3A_661 : i32 to vector<16xi32>
      %add3A_663 = arith.addi %add3A_662, %shift_right_logical3A_87 : vector<16xi32>
      %gather3A_664 = tpu.vector_load_idx %arg7[%add3A_663, %and3A_89] : memref<448x8xf32, #tpu.memory_space<vmem>>[vector<16xi32>, vector<16xi32>], vector<16xf32>,
      %add3A_665 = arith.constant 204 : i32
      %add3A_666 = vector.broadcast %add3A_665 : i32 to vector<16xi32>
      %add3A_667 = arith.addi %add3A_666, %shift_right_logical3A_87 : vector<16xi32>
      %gather3A_668 = tpu.vector_load_idx %arg7[%add3A_667, %and3A_89] : memref<448x8xf32, #tpu.memory_space<vmem>>[vector<16xi32>, vector<16xi32>], vector<16xf32>,
      %add3A_669 = arith.constant 206 : i32
      %add3A_670 = vector.broadcast %add3A_669 : i32 to vector<16xi32>
      %add3A_671 = arith.addi %add3A_670, %shift_right_logical3A_87 : vector<16xi32>
      %gather3A_672 = tpu.vector_load_idx %arg7[%add3A_671, %and3A_89] : memref<448x8xf32, #tpu.memory_space<vmem>>[vector<16xi32>, vector<16xi32>], vector<16xf32>,
      %add3A_673 = arith.constant 208 : i32
      %add3A_674 = vector.broadcast %add3A_673 : i32 to vector<16xi32>
      %add3A_675 = arith.addi %add3A_674, %shift_right_logical3A_87 : vector<16xi32>
      %gather3A_676 = tpu.vector_load_idx %arg7[%add3A_675, %and3A_89] : memref<448x8xf32, #tpu.memory_space<vmem>>[vector<16xi32>, vector<16xi32>], vector<16xf32>,
      %add3A_677 = arith.constant 210 : i32
      %add3A_678 = vector.broadcast %add3A_677 : i32 to vector<16xi32>
      %add3A_679 = arith.addi %add3A_678, %shift_right_logical3A_87 : vector<16xi32>
      %gather3A_680 = tpu.vector_load_idx %arg7[%add3A_679, %and3A_89] : memref<448x8xf32, #tpu.memory_space<vmem>>[vector<16xi32>, vector<16xi32>], vector<16xf32>,
      %add3A_681 = arith.constant 212 : i32
      %add3A_682 = vector.broadcast %add3A_681 : i32 to vector<16xi32>
      %add3A_683 = arith.addi %add3A_682, %shift_right_logical3A_87 : vector<16xi32>
      %gather3A_684 = tpu.vector_load_idx %arg7[%add3A_683, %and3A_89] : memref<448x8xf32, #tpu.memory_space<vmem>>[vector<16xi32>, vector<16xi32>], vector<16xf32>,
      %add3A_685 = arith.constant 214 : i32
      %add3A_686 = vector.broadcast %add3A_685 : i32 to vector<16xi32>
      %add3A_687 = arith.addi %add3A_686, %shift_right_logical3A_87 : vector<16xi32>
      %gather3A_688 = tpu.vector_load_idx %arg7[%add3A_687, %and3A_89] : memref<448x8xf32, #tpu.memory_space<vmem>>[vector<16xi32>, vector<16xi32>], vector<16xf32>,
      %add3A_689 = arith.constant 216 : i32
      %add3A_690 = vector.broadcast %add3A_689 : i32 to vector<16xi32>
      %add3A_691 = arith.addi %add3A_690, %shift_right_logical3A_87 : vector<16xi32>
      %gather3A_692 = tpu.vector_load_idx %arg7[%add3A_691, %and3A_89] : memref<448x8xf32, #tpu.memory_space<vmem>>[vector<16xi32>, vector<16xi32>], vector<16xf32>,
      %add3A_693 = arith.addf %gather3A_596, %gather3A_600 : vector<16xf32>
      %add3A_694 = arith.addf %gather3A_604, %gather3A_608 : vector<16xf32>
      %add3A_695 = arith.addf %gather3A_612, %gather3A_616 : vector<16xf32>
      %add3A_696 = arith.addf %gather3A_620, %gather3A_624 : vector<16xf32>
      %add3A_697 = arith.addf %gather3A_628, %gather3A_632 : vector<16xf32>
      %add3A_698 = arith.addf %gather3A_636, %gather3A_640 : vector<16xf32>
      %add3A_699 = arith.addf %gather3A_644, %gather3A_648 : vector<16xf32>
      %add3A_700 = arith.addf %gather3A_652, %gather3A_656 : vector<16xf32>
      %add3A_701 = arith.addf %gather3A_660, %gather3A_664 : vector<16xf32>
      %add3A_702 = arith.addf %gather3A_668, %gather3A_672 : vector<16xf32>
      %add3A_703 = arith.addf %gather3A_676, %gather3A_680 : vector<16xf32>
      %add3A_704 = arith.addf %gather3A_684, %gather3A_688 : vector<16xf32>
      %add3A_705 = arith.addf %add3A_693, %add3A_694 : vector<16xf32>
      %add3A_706 = arith.addf %add3A_695, %add3A_696 : vector<16xf32>
      %add3A_707 = arith.addf %add3A_697, %add3A_698 : vector<16xf32>
      %add3A_708 = arith.addf %add3A_699, %add3A_700 : vector<16xf32>
      %add3A_709 = arith.addf %add3A_701, %add3A_702 : vector<16xf32>
      %add3A_710 = arith.addf %add3A_703, %add3A_704 : vector<16xf32>
      %add3A_711 = arith.addf %add3A_705, %add3A_706 : vector<16xf32>
      %add3A_712 = arith.addf %add3A_707, %add3A_708 : vector<16xf32>
      %add3A_713 = arith.addf %add3A_709, %add3A_710 : vector<16xf32>
      %add3A_714 = arith.addf %add3A_711, %add3A_712 : vector<16xf32>
      %add3A_715 = arith.addf %add3A_713, %gather3A_692 : vector<16xf32>
      %add3A_716 = arith.addf %add3A_714, %add3A_715 : vector<16xf32>
      %lt3A_717 = arith.constant 0 : i32
      %lt3A_718 = vector.broadcast %lt3A_717 : i32 to vector<16xi32>
      %lt3A_719 = arith.cmpi slt, %and3A_95, %lt3A_718 : vector<16xi32>
      %add3A_720 = arith.constant 16 : i32
      %add3A_721 = vector.broadcast %add3A_720 : i32 to vector<16xi32>
      %add3A_722 = arith.addi %and3A_95, %add3A_721 : vector<16xi32>
      %select_n3A_723 = arith.select %lt3A_719, %add3A_722, %and3A_95 : vector<16xi1>, vector<16xi32>
      %broadcast_in_dim3A_724 = vector.shape_cast %select_n3A_723 : vector<16xi32> to vector<16x1xi32>
      %gather3A_725 = vector.shape_cast %broadcast_in_dim3A_724 : vector<16x1xi32> to vector<16xi32>
      %gather3A_726 = tpu.dynamic_gather %add3A_716[%gather3A_725] in [0] : vector<16xf32>, vector<16xi32> -> vector<16xf32>
      %add3A_727 = arith.addf %add3A_716, %gather3A_726 : vector<16xf32>
      %get3A_728 = arith.constant 0 : index
      %get3A_729 = tpu.vector_load %arg9[%get3A_728] {strides = array<i32>} : memref<16xf32, #tpu.memory_space<vmem>>, vector<16xf32>,
      %add3A_730 = arith.addf %add3A_727, %get3A_729 : vector<16xf32>
      %swap3A_731 = arith.index_cast %add3A_582 : i32 to index
      %swap3A_732 = arith.constant 0 : index
      %swap3A_733 = tpu.vector_load %arg8[%swap3A_731, %swap3A_732] {strides = array<i32>} : memref<512x16xf32, #tpu.memory_space<vmem>>, vector<16xf32>,
      tpu.vector_store %arg8[%swap3A_731, %swap3A_732], %add3A_730 {strides = array<i32>} : memref<512x16xf32, #tpu.memory_space<vmem>>, vector<16xf32>,
      %add3A_734 = arith.constant 8 : i32
      %add3A_735 = arith.addi %add3A_582, %add3A_734 : i32
      %lt3A_736 = arith.constant 512 : i32
      %lt3A_737 = arith.cmpi slt, %add3A_735, %lt3A_736 : i32
      %convert_element_type3A_738 = arith.extui %lt3A_737 : i1 to i32
      %cond3A_739 = arith.constant 0 : i32
      %cond3A_740 = arith.cmpi ne, %convert_element_type3A_738, %cond3A_739 : i32
      scf.if %cond3A_740 {
        %add3A_1389 = arith.constant 8 : i32
        %add3A_1390 = arith.addi %add3A_582, %add3A_1389 : i32
        %dma_start3A_1391 = arith.constant 168 : i32
        %dma_start3A_1392 = arith.constant 0 : i32
        %dma_start3A_1393 = tpu.memref_slice %arg7[%dma_start3A_1391, %dma_start3A_1392] : memref<448x8xf32, #tpu.memory_space<vmem>> -> memref<56x8xf32, #tpu.memory_space<vmem>>
        %dma_start3A_1394 = arith.constant 0 : i32
        %dma_start3A_1395 = tpu.memref_slice %arg6[%add3A_1390, %dma_start3A_1394] : memref<512x128xi32, #tpu.memory_space<vmem>> -> memref<1x56xi32, #tpu.memory_space<vmem>>
        %dma_start3A_1396 = tpu.memref_squeeze %dma_start3A_1395 : memref<1x56xi32, #tpu.memory_space<vmem>> -> memref<56xi32, #tpu.memory_space<vmem>>
        %dma_start3A_1397 = arith.constant 0 : i32
        %dma_start3A_1398 = arith.constant 0 : i32
        %dma_start3A_1399 = tpu.memref_slice %arg10[%dma_start3A_1397, %dma_start3A_1398] : memref<100000x8xf32, #tpu.memory_space<vmem_shared>> -> memref<100000x8xf32, #tpu.memory_space<vmem_shared>>
        tpu.enqueue_indirect_dma source(%dma_start3A_1399 : memref<100000x8xf32, #tpu.memory_space<vmem_shared>>) target(%dma_start3A_1393 : memref<56x8xf32, #tpu.memory_space<vmem>>) offsets(%dma_start3A_1396 : memref<56xi32, #tpu.memory_space<vmem>>) semaphore(%arg15 : memref<!tpu.dma_semaphore, #tpu.memory_space<semaphore_mem>>)
      } else {
      }
      %mul3A_741 = arith.constant 8 : i32
      %mul3A_742 = arith.muli %scan3A_101, %mul3A_741 : i32
      %add3A_743 = arith.constant 4 : i32
      %add3A_744 = arith.addi %mul3A_742, %add3A_743 : i32
      %dma_wait3A_745 = arith.constant 4 : i32
      %dma_wait3A_746 = arith.constant 224 : i32
      %dma_wait3A_747 = arith.constant 0 : i32
      %dma_wait3A_748 = tpu.memref_slice %arg7[%dma_wait3A_746, %dma_wait3A_747] : memref<448x8xf32, #tpu.memory_space<vmem>> -> memref<56x8xf32, #tpu.memory_space<vmem>>
      %dma_wait3A_749 = arith.constant 0 : i32
      %dma_wait3A_750 = tpu.memref_slice %arg6[%dma_wait3A_745, %dma_wait3A_749] : memref<512x128xi32, #tpu.memory_space<vmem>> -> memref<1x56xi32, #tpu.memory_space<vmem>>
      %dma_wait3A_751 = tpu.memref_squeeze %dma_wait3A_750 : memref<1x56xi32, #tpu.memory_space<vmem>> -> memref<56xi32, #tpu.memory_space<vmem>>
      %dma_wait3A_752 = arith.constant 0 : i32
      %dma_wait3A_753 = arith.constant 0 : i32
      %dma_wait3A_754 = tpu.memref_slice %arg10[%dma_wait3A_752, %dma_wait3A_753] : memref<100000x8xf32, #tpu.memory_space<vmem_shared>> -> memref<100000x8xf32, #tpu.memory_space<vmem_shared>>
      tpu.wait_indirect_dma semaphore(%arg16 : memref<!tpu.dma_semaphore, #tpu.memory_space<semaphore_mem>>) src(%dma_wait3A_754 : memref<100000x8xf32, #tpu.memory_space<vmem_shared>>) dst(%dma_wait3A_748 : memref<56x8xf32, #tpu.memory_space<vmem>>)
      %add3A_755 = arith.constant 224 : i32
      %add3A_756 = vector.broadcast %add3A_755 : i32 to vector<16xi32>
      %add3A_757 = arith.addi %add3A_756, %shift_right_logical3A_87 : vector<16xi32>
      %gather3A_758 = tpu.vector_load_idx %arg7[%add3A_757, %and3A_89] : memref<448x8xf32, #tpu.memory_space<vmem>>[vector<16xi32>, vector<16xi32>], vector<16xf32>,
      %add3A_759 = arith.constant 226 : i32
      %add3A_760 = vector.broadcast %add3A_759 : i32 to vector<16xi32>
      %add3A_761 = arith.addi %add3A_760, %shift_right_logical3A_87 : vector<16xi32>
      %gather3A_762 = tpu.vector_load_idx %arg7[%add3A_761, %and3A_89] : memref<448x8xf32, #tpu.memory_space<vmem>>[vector<16xi32>, vector<16xi32>], vector<16xf32>,
      %add3A_763 = arith.constant 228 : i32
      %add3A_764 = vector.broadcast %add3A_763 : i32 to vector<16xi32>
      %add3A_765 = arith.addi %add3A_764, %shift_right_logical3A_87 : vector<16xi32>
      %gather3A_766 = tpu.vector_load_idx %arg7[%add3A_765, %and3A_89] : memref<448x8xf32, #tpu.memory_space<vmem>>[vector<16xi32>, vector<16xi32>], vector<16xf32>,
      %add3A_767 = arith.constant 230 : i32
      %add3A_768 = vector.broadcast %add3A_767 : i32 to vector<16xi32>
      %add3A_769 = arith.addi %add3A_768, %shift_right_logical3A_87 : vector<16xi32>
      %gather3A_770 = tpu.vector_load_idx %arg7[%add3A_769, %and3A_89] : memref<448x8xf32, #tpu.memory_space<vmem>>[vector<16xi32>, vector<16xi32>], vector<16xf32>,
      %add3A_771 = arith.constant 232 : i32
      %add3A_772 = vector.broadcast %add3A_771 : i32 to vector<16xi32>
      %add3A_773 = arith.addi %add3A_772, %shift_right_logical3A_87 : vector<16xi32>
      %gather3A_774 = tpu.vector_load_idx %arg7[%add3A_773, %and3A_89] : memref<448x8xf32, #tpu.memory_space<vmem>>[vector<16xi32>, vector<16xi32>], vector<16xf32>,
      %add3A_775 = arith.constant 234 : i32
      %add3A_776 = vector.broadcast %add3A_775 : i32 to vector<16xi32>
      %add3A_777 = arith.addi %add3A_776, %shift_right_logical3A_87 : vector<16xi32>
      %gather3A_778 = tpu.vector_load_idx %arg7[%add3A_777, %and3A_89] : memref<448x8xf32, #tpu.memory_space<vmem>>[vector<16xi32>, vector<16xi32>], vector<16xf32>,
      %add3A_779 = arith.constant 236 : i32
      %add3A_780 = vector.broadcast %add3A_779 : i32 to vector<16xi32>
      %add3A_781 = arith.addi %add3A_780, %shift_right_logical3A_87 : vector<16xi32>
      %gather3A_782 = tpu.vector_load_idx %arg7[%add3A_781, %and3A_89] : memref<448x8xf32, #tpu.memory_space<vmem>>[vector<16xi32>, vector<16xi32>], vector<16xf32>,
      %add3A_783 = arith.constant 238 : i32
      %add3A_784 = vector.broadcast %add3A_783 : i32 to vector<16xi32>
      %add3A_785 = arith.addi %add3A_784, %shift_right_logical3A_87 : vector<16xi32>
      %gather3A_786 = tpu.vector_load_idx %arg7[%add3A_785, %and3A_89] : memref<448x8xf32, #tpu.memory_space<vmem>>[vector<16xi32>, vector<16xi32>], vector<16xf32>,
      %add3A_787 = arith.constant 240 : i32
      %add3A_788 = vector.broadcast %add3A_787 : i32 to vector<16xi32>
      %add3A_789 = arith.addi %add3A_788, %shift_right_logical3A_87 : vector<16xi32>
      %gather3A_790 = tpu.vector_load_idx %arg7[%add3A_789, %and3A_89] : memref<448x8xf32, #tpu.memory_space<vmem>>[vector<16xi32>, vector<16xi32>], vector<16xf32>,
      %add3A_791 = arith.constant 242 : i32
      %add3A_792 = vector.broadcast %add3A_791 : i32 to vector<16xi32>
      %add3A_793 = arith.addi %add3A_792, %shift_right_logical3A_87 : vector<16xi32>
      %gather3A_794 = tpu.vector_load_idx %arg7[%add3A_793, %and3A_89] : memref<448x8xf32, #tpu.memory_space<vmem>>[vector<16xi32>, vector<16xi32>], vector<16xf32>,
      %add3A_795 = arith.constant 244 : i32
      %add3A_796 = vector.broadcast %add3A_795 : i32 to vector<16xi32>
      %add3A_797 = arith.addi %add3A_796, %shift_right_logical3A_87 : vector<16xi32>
      %gather3A_798 = tpu.vector_load_idx %arg7[%add3A_797, %and3A_89] : memref<448x8xf32, #tpu.memory_space<vmem>>[vector<16xi32>, vector<16xi32>], vector<16xf32>,
      %add3A_799 = arith.constant 246 : i32
      %add3A_800 = vector.broadcast %add3A_799 : i32 to vector<16xi32>
      %add3A_801 = arith.addi %add3A_800, %shift_right_logical3A_87 : vector<16xi32>
      %gather3A_802 = tpu.vector_load_idx %arg7[%add3A_801, %and3A_89] : memref<448x8xf32, #tpu.memory_space<vmem>>[vector<16xi32>, vector<16xi32>], vector<16xf32>,
      %add3A_803 = arith.constant 248 : i32
      %add3A_804 = vector.broadcast %add3A_803 : i32 to vector<16xi32>
      %add3A_805 = arith.addi %add3A_804, %shift_right_logical3A_87 : vector<16xi32>
      %gather3A_806 = tpu.vector_load_idx %arg7[%add3A_805, %and3A_89] : memref<448x8xf32, #tpu.memory_space<vmem>>[vector<16xi32>, vector<16xi32>], vector<16xf32>,
      %add3A_807 = arith.constant 250 : i32
      %add3A_808 = vector.broadcast %add3A_807 : i32 to vector<16xi32>
      %add3A_809 = arith.addi %add3A_808, %shift_right_logical3A_87 : vector<16xi32>
      %gather3A_810 = tpu.vector_load_idx %arg7[%add3A_809, %and3A_89] : memref<448x8xf32, #tpu.memory_space<vmem>>[vector<16xi32>, vector<16xi32>], vector<16xf32>,
      %add3A_811 = arith.constant 252 : i32
      %add3A_812 = vector.broadcast %add3A_811 : i32 to vector<16xi32>
      %add3A_813 = arith.addi %add3A_812, %shift_right_logical3A_87 : vector<16xi32>
      %gather3A_814 = tpu.vector_load_idx %arg7[%add3A_813, %and3A_89] : memref<448x8xf32, #tpu.memory_space<vmem>>[vector<16xi32>, vector<16xi32>], vector<16xf32>,
      %add3A_815 = arith.constant 254 : i32
      %add3A_816 = vector.broadcast %add3A_815 : i32 to vector<16xi32>
      %add3A_817 = arith.addi %add3A_816, %shift_right_logical3A_87 : vector<16xi32>
      %gather3A_818 = tpu.vector_load_idx %arg7[%add3A_817, %and3A_89] : memref<448x8xf32, #tpu.memory_space<vmem>>[vector<16xi32>, vector<16xi32>], vector<16xf32>,
      %add3A_819 = arith.constant 256 : i32
      %add3A_820 = vector.broadcast %add3A_819 : i32 to vector<16xi32>
      %add3A_821 = arith.addi %add3A_820, %shift_right_logical3A_87 : vector<16xi32>
      %gather3A_822 = tpu.vector_load_idx %arg7[%add3A_821, %and3A_89] : memref<448x8xf32, #tpu.memory_space<vmem>>[vector<16xi32>, vector<16xi32>], vector<16xf32>,
      %add3A_823 = arith.constant 258 : i32
      %add3A_824 = vector.broadcast %add3A_823 : i32 to vector<16xi32>
      %add3A_825 = arith.addi %add3A_824, %shift_right_logical3A_87 : vector<16xi32>
      %gather3A_826 = tpu.vector_load_idx %arg7[%add3A_825, %and3A_89] : memref<448x8xf32, #tpu.memory_space<vmem>>[vector<16xi32>, vector<16xi32>], vector<16xf32>,
      %add3A_827 = arith.constant 260 : i32
      %add3A_828 = vector.broadcast %add3A_827 : i32 to vector<16xi32>
      %add3A_829 = arith.addi %add3A_828, %shift_right_logical3A_87 : vector<16xi32>
      %gather3A_830 = tpu.vector_load_idx %arg7[%add3A_829, %and3A_89] : memref<448x8xf32, #tpu.memory_space<vmem>>[vector<16xi32>, vector<16xi32>], vector<16xf32>,
      %add3A_831 = arith.constant 262 : i32
      %add3A_832 = vector.broadcast %add3A_831 : i32 to vector<16xi32>
      %add3A_833 = arith.addi %add3A_832, %shift_right_logical3A_87 : vector<16xi32>
      %gather3A_834 = tpu.vector_load_idx %arg7[%add3A_833, %and3A_89] : memref<448x8xf32, #tpu.memory_space<vmem>>[vector<16xi32>, vector<16xi32>], vector<16xf32>,
      %add3A_835 = arith.constant 264 : i32
      %add3A_836 = vector.broadcast %add3A_835 : i32 to vector<16xi32>
      %add3A_837 = arith.addi %add3A_836, %shift_right_logical3A_87 : vector<16xi32>
      %gather3A_838 = tpu.vector_load_idx %arg7[%add3A_837, %and3A_89] : memref<448x8xf32, #tpu.memory_space<vmem>>[vector<16xi32>, vector<16xi32>], vector<16xf32>,
      %add3A_839 = arith.constant 266 : i32
      %add3A_840 = vector.broadcast %add3A_839 : i32 to vector<16xi32>
      %add3A_841 = arith.addi %add3A_840, %shift_right_logical3A_87 : vector<16xi32>
      %gather3A_842 = tpu.vector_load_idx %arg7[%add3A_841, %and3A_89] : memref<448x8xf32, #tpu.memory_space<vmem>>[vector<16xi32>, vector<16xi32>], vector<16xf32>,
      %add3A_843 = arith.constant 268 : i32
      %add3A_844 = vector.broadcast %add3A_843 : i32 to vector<16xi32>
      %add3A_845 = arith.addi %add3A_844, %shift_right_logical3A_87 : vector<16xi32>
      %gather3A_846 = tpu.vector_load_idx %arg7[%add3A_845, %and3A_89] : memref<448x8xf32, #tpu.memory_space<vmem>>[vector<16xi32>, vector<16xi32>], vector<16xf32>,
      %add3A_847 = arith.constant 270 : i32
      %add3A_848 = vector.broadcast %add3A_847 : i32 to vector<16xi32>
      %add3A_849 = arith.addi %add3A_848, %shift_right_logical3A_87 : vector<16xi32>
      %gather3A_850 = tpu.vector_load_idx %arg7[%add3A_849, %and3A_89] : memref<448x8xf32, #tpu.memory_space<vmem>>[vector<16xi32>, vector<16xi32>], vector<16xf32>,
      %add3A_851 = arith.constant 272 : i32
      %add3A_852 = vector.broadcast %add3A_851 : i32 to vector<16xi32>
      %add3A_853 = arith.addi %add3A_852, %shift_right_logical3A_87 : vector<16xi32>
      %gather3A_854 = tpu.vector_load_idx %arg7[%add3A_853, %and3A_89] : memref<448x8xf32, #tpu.memory_space<vmem>>[vector<16xi32>, vector<16xi32>], vector<16xf32>,
      %add3A_855 = arith.addf %gather3A_758, %gather3A_762 : vector<16xf32>
      %add3A_856 = arith.addf %gather3A_766, %gather3A_770 : vector<16xf32>
      %add3A_857 = arith.addf %gather3A_774, %gather3A_778 : vector<16xf32>
      %add3A_858 = arith.addf %gather3A_782, %gather3A_786 : vector<16xf32>
      %add3A_859 = arith.addf %gather3A_790, %gather3A_794 : vector<16xf32>
      %add3A_860 = arith.addf %gather3A_798, %gather3A_802 : vector<16xf32>
      %add3A_861 = arith.addf %gather3A_806, %gather3A_810 : vector<16xf32>
      %add3A_862 = arith.addf %gather3A_814, %gather3A_818 : vector<16xf32>
      %add3A_863 = arith.addf %gather3A_822, %gather3A_826 : vector<16xf32>
      %add3A_864 = arith.addf %gather3A_830, %gather3A_834 : vector<16xf32>
      %add3A_865 = arith.addf %gather3A_838, %gather3A_842 : vector<16xf32>
      %add3A_866 = arith.addf %gather3A_846, %gather3A_850 : vector<16xf32>
      %add3A_867 = arith.addf %add3A_855, %add3A_856 : vector<16xf32>
      %add3A_868 = arith.addf %add3A_857, %add3A_858 : vector<16xf32>
      %add3A_869 = arith.addf %add3A_859, %add3A_860 : vector<16xf32>
      %add3A_870 = arith.addf %add3A_861, %add3A_862 : vector<16xf32>
      %add3A_871 = arith.addf %add3A_863, %add3A_864 : vector<16xf32>
      %add3A_872 = arith.addf %add3A_865, %add3A_866 : vector<16xf32>
      %add3A_873 = arith.addf %add3A_867, %add3A_868 : vector<16xf32>
      %add3A_874 = arith.addf %add3A_869, %add3A_870 : vector<16xf32>
      %add3A_875 = arith.addf %add3A_871, %add3A_872 : vector<16xf32>
      %add3A_876 = arith.addf %add3A_873, %add3A_874 : vector<16xf32>
      %add3A_877 = arith.addf %add3A_875, %gather3A_854 : vector<16xf32>
      %add3A_878 = arith.addf %add3A_876, %add3A_877 : vector<16xf32>
      %lt3A_879 = arith.constant 0 : i32
      %lt3A_880 = vector.broadcast %lt3A_879 : i32 to vector<16xi32>
      %lt3A_881 = arith.cmpi slt, %and3A_95, %lt3A_880 : vector<16xi32>
      %add3A_882 = arith.constant 16 : i32
      %add3A_883 = vector.broadcast %add3A_882 : i32 to vector<16xi32>
      %add3A_884 = arith.addi %and3A_95, %add3A_883 : vector<16xi32>
      %select_n3A_885 = arith.select %lt3A_881, %add3A_884, %and3A_95 : vector<16xi1>, vector<16xi32>
      %broadcast_in_dim3A_886 = vector.shape_cast %select_n3A_885 : vector<16xi32> to vector<16x1xi32>
      %gather3A_887 = vector.shape_cast %broadcast_in_dim3A_886 : vector<16x1xi32> to vector<16xi32>
      %gather3A_888 = tpu.dynamic_gather %add3A_878[%gather3A_887] in [0] : vector<16xf32>, vector<16xi32> -> vector<16xf32>
      %add3A_889 = arith.addf %add3A_878, %gather3A_888 : vector<16xf32>
      %get3A_890 = arith.constant 0 : index
      %get3A_891 = tpu.vector_load %arg9[%get3A_890] {strides = array<i32>} : memref<16xf32, #tpu.memory_space<vmem>>, vector<16xf32>,
      %add3A_892 = arith.addf %add3A_889, %get3A_891 : vector<16xf32>
      %swap3A_893 = arith.index_cast %add3A_744 : i32 to index
      %swap3A_894 = arith.constant 0 : index
      %swap3A_895 = tpu.vector_load %arg8[%swap3A_893, %swap3A_894] {strides = array<i32>} : memref<512x16xf32, #tpu.memory_space<vmem>>, vector<16xf32>,
      tpu.vector_store %arg8[%swap3A_893, %swap3A_894], %add3A_892 {strides = array<i32>} : memref<512x16xf32, #tpu.memory_space<vmem>>, vector<16xf32>,
      %add3A_896 = arith.constant 8 : i32
      %add3A_897 = arith.addi %add3A_744, %add3A_896 : i32
      %lt3A_898 = arith.constant 512 : i32
      %lt3A_899 = arith.cmpi slt, %add3A_897, %lt3A_898 : i32
      %convert_element_type3A_900 = arith.extui %lt3A_899 : i1 to i32
      %cond3A_901 = arith.constant 0 : i32
      %cond3A_902 = arith.cmpi ne, %convert_element_type3A_900, %cond3A_901 : i32
      scf.if %cond3A_902 {
        %add3A_1389 = arith.constant 8 : i32
        %add3A_1390 = arith.addi %add3A_744, %add3A_1389 : i32
        %dma_start3A_1391 = arith.constant 224 : i32
        %dma_start3A_1392 = arith.constant 0 : i32
        %dma_start3A_1393 = tpu.memref_slice %arg7[%dma_start3A_1391, %dma_start3A_1392] : memref<448x8xf32, #tpu.memory_space<vmem>> -> memref<56x8xf32, #tpu.memory_space<vmem>>
        %dma_start3A_1394 = arith.constant 0 : i32
        %dma_start3A_1395 = tpu.memref_slice %arg6[%add3A_1390, %dma_start3A_1394] : memref<512x128xi32, #tpu.memory_space<vmem>> -> memref<1x56xi32, #tpu.memory_space<vmem>>
        %dma_start3A_1396 = tpu.memref_squeeze %dma_start3A_1395 : memref<1x56xi32, #tpu.memory_space<vmem>> -> memref<56xi32, #tpu.memory_space<vmem>>
        %dma_start3A_1397 = arith.constant 0 : i32
        %dma_start3A_1398 = arith.constant 0 : i32
        %dma_start3A_1399 = tpu.memref_slice %arg10[%dma_start3A_1397, %dma_start3A_1398] : memref<100000x8xf32, #tpu.memory_space<vmem_shared>> -> memref<100000x8xf32, #tpu.memory_space<vmem_shared>>
        tpu.enqueue_indirect_dma source(%dma_start3A_1399 : memref<100000x8xf32, #tpu.memory_space<vmem_shared>>) target(%dma_start3A_1393 : memref<56x8xf32, #tpu.memory_space<vmem>>) offsets(%dma_start3A_1396 : memref<56xi32, #tpu.memory_space<vmem>>) semaphore(%arg16 : memref<!tpu.dma_semaphore, #tpu.memory_space<semaphore_mem>>)
      } else {
      }
      %mul3A_903 = arith.constant 8 : i32
      %mul3A_904 = arith.muli %scan3A_101, %mul3A_903 : i32
      %add3A_905 = arith.constant 5 : i32
      %add3A_906 = arith.addi %mul3A_904, %add3A_905 : i32
      %dma_wait3A_907 = arith.constant 5 : i32
      %dma_wait3A_908 = arith.constant 280 : i32
      %dma_wait3A_909 = arith.constant 0 : i32
      %dma_wait3A_910 = tpu.memref_slice %arg7[%dma_wait3A_908, %dma_wait3A_909] : memref<448x8xf32, #tpu.memory_space<vmem>> -> memref<56x8xf32, #tpu.memory_space<vmem>>
      %dma_wait3A_911 = arith.constant 0 : i32
      %dma_wait3A_912 = tpu.memref_slice %arg6[%dma_wait3A_907, %dma_wait3A_911] : memref<512x128xi32, #tpu.memory_space<vmem>> -> memref<1x56xi32, #tpu.memory_space<vmem>>
      %dma_wait3A_913 = tpu.memref_squeeze %dma_wait3A_912 : memref<1x56xi32, #tpu.memory_space<vmem>> -> memref<56xi32, #tpu.memory_space<vmem>>
      %dma_wait3A_914 = arith.constant 0 : i32
      %dma_wait3A_915 = arith.constant 0 : i32
      %dma_wait3A_916 = tpu.memref_slice %arg10[%dma_wait3A_914, %dma_wait3A_915] : memref<100000x8xf32, #tpu.memory_space<vmem_shared>> -> memref<100000x8xf32, #tpu.memory_space<vmem_shared>>
      tpu.wait_indirect_dma semaphore(%arg17 : memref<!tpu.dma_semaphore, #tpu.memory_space<semaphore_mem>>) src(%dma_wait3A_916 : memref<100000x8xf32, #tpu.memory_space<vmem_shared>>) dst(%dma_wait3A_910 : memref<56x8xf32, #tpu.memory_space<vmem>>)
      %add3A_917 = arith.constant 280 : i32
      %add3A_918 = vector.broadcast %add3A_917 : i32 to vector<16xi32>
      %add3A_919 = arith.addi %add3A_918, %shift_right_logical3A_87 : vector<16xi32>
      %gather3A_920 = tpu.vector_load_idx %arg7[%add3A_919, %and3A_89] : memref<448x8xf32, #tpu.memory_space<vmem>>[vector<16xi32>, vector<16xi32>], vector<16xf32>,
      %add3A_921 = arith.constant 282 : i32
      %add3A_922 = vector.broadcast %add3A_921 : i32 to vector<16xi32>
      %add3A_923 = arith.addi %add3A_922, %shift_right_logical3A_87 : vector<16xi32>
      %gather3A_924 = tpu.vector_load_idx %arg7[%add3A_923, %and3A_89] : memref<448x8xf32, #tpu.memory_space<vmem>>[vector<16xi32>, vector<16xi32>], vector<16xf32>,
      %add3A_925 = arith.constant 284 : i32
      %add3A_926 = vector.broadcast %add3A_925 : i32 to vector<16xi32>
      %add3A_927 = arith.addi %add3A_926, %shift_right_logical3A_87 : vector<16xi32>
      %gather3A_928 = tpu.vector_load_idx %arg7[%add3A_927, %and3A_89] : memref<448x8xf32, #tpu.memory_space<vmem>>[vector<16xi32>, vector<16xi32>], vector<16xf32>,
      %add3A_929 = arith.constant 286 : i32
      %add3A_930 = vector.broadcast %add3A_929 : i32 to vector<16xi32>
      %add3A_931 = arith.addi %add3A_930, %shift_right_logical3A_87 : vector<16xi32>
      %gather3A_932 = tpu.vector_load_idx %arg7[%add3A_931, %and3A_89] : memref<448x8xf32, #tpu.memory_space<vmem>>[vector<16xi32>, vector<16xi32>], vector<16xf32>,
      %add3A_933 = arith.constant 288 : i32
      %add3A_934 = vector.broadcast %add3A_933 : i32 to vector<16xi32>
      %add3A_935 = arith.addi %add3A_934, %shift_right_logical3A_87 : vector<16xi32>
      %gather3A_936 = tpu.vector_load_idx %arg7[%add3A_935, %and3A_89] : memref<448x8xf32, #tpu.memory_space<vmem>>[vector<16xi32>, vector<16xi32>], vector<16xf32>,
      %add3A_937 = arith.constant 290 : i32
      %add3A_938 = vector.broadcast %add3A_937 : i32 to vector<16xi32>
      %add3A_939 = arith.addi %add3A_938, %shift_right_logical3A_87 : vector<16xi32>
      %gather3A_940 = tpu.vector_load_idx %arg7[%add3A_939, %and3A_89] : memref<448x8xf32, #tpu.memory_space<vmem>>[vector<16xi32>, vector<16xi32>], vector<16xf32>,
      %add3A_941 = arith.constant 292 : i32
      %add3A_942 = vector.broadcast %add3A_941 : i32 to vector<16xi32>
      %add3A_943 = arith.addi %add3A_942, %shift_right_logical3A_87 : vector<16xi32>
      %gather3A_944 = tpu.vector_load_idx %arg7[%add3A_943, %and3A_89] : memref<448x8xf32, #tpu.memory_space<vmem>>[vector<16xi32>, vector<16xi32>], vector<16xf32>,
      %add3A_945 = arith.constant 294 : i32
      %add3A_946 = vector.broadcast %add3A_945 : i32 to vector<16xi32>
      %add3A_947 = arith.addi %add3A_946, %shift_right_logical3A_87 : vector<16xi32>
      %gather3A_948 = tpu.vector_load_idx %arg7[%add3A_947, %and3A_89] : memref<448x8xf32, #tpu.memory_space<vmem>>[vector<16xi32>, vector<16xi32>], vector<16xf32>,
      %add3A_949 = arith.constant 296 : i32
      %add3A_950 = vector.broadcast %add3A_949 : i32 to vector<16xi32>
      %add3A_951 = arith.addi %add3A_950, %shift_right_logical3A_87 : vector<16xi32>
      %gather3A_952 = tpu.vector_load_idx %arg7[%add3A_951, %and3A_89] : memref<448x8xf32, #tpu.memory_space<vmem>>[vector<16xi32>, vector<16xi32>], vector<16xf32>,
      %add3A_953 = arith.constant 298 : i32
      %add3A_954 = vector.broadcast %add3A_953 : i32 to vector<16xi32>
      %add3A_955 = arith.addi %add3A_954, %shift_right_logical3A_87 : vector<16xi32>
      %gather3A_956 = tpu.vector_load_idx %arg7[%add3A_955, %and3A_89] : memref<448x8xf32, #tpu.memory_space<vmem>>[vector<16xi32>, vector<16xi32>], vector<16xf32>,
      %add3A_957 = arith.constant 300 : i32
      %add3A_958 = vector.broadcast %add3A_957 : i32 to vector<16xi32>
      %add3A_959 = arith.addi %add3A_958, %shift_right_logical3A_87 : vector<16xi32>
      %gather3A_960 = tpu.vector_load_idx %arg7[%add3A_959, %and3A_89] : memref<448x8xf32, #tpu.memory_space<vmem>>[vector<16xi32>, vector<16xi32>], vector<16xf32>,
      %add3A_961 = arith.constant 302 : i32
      %add3A_962 = vector.broadcast %add3A_961 : i32 to vector<16xi32>
      %add3A_963 = arith.addi %add3A_962, %shift_right_logical3A_87 : vector<16xi32>
      %gather3A_964 = tpu.vector_load_idx %arg7[%add3A_963, %and3A_89] : memref<448x8xf32, #tpu.memory_space<vmem>>[vector<16xi32>, vector<16xi32>], vector<16xf32>,
      %add3A_965 = arith.constant 304 : i32
      %add3A_966 = vector.broadcast %add3A_965 : i32 to vector<16xi32>
      %add3A_967 = arith.addi %add3A_966, %shift_right_logical3A_87 : vector<16xi32>
      %gather3A_968 = tpu.vector_load_idx %arg7[%add3A_967, %and3A_89] : memref<448x8xf32, #tpu.memory_space<vmem>>[vector<16xi32>, vector<16xi32>], vector<16xf32>,
      %add3A_969 = arith.constant 306 : i32
      %add3A_970 = vector.broadcast %add3A_969 : i32 to vector<16xi32>
      %add3A_971 = arith.addi %add3A_970, %shift_right_logical3A_87 : vector<16xi32>
      %gather3A_972 = tpu.vector_load_idx %arg7[%add3A_971, %and3A_89] : memref<448x8xf32, #tpu.memory_space<vmem>>[vector<16xi32>, vector<16xi32>], vector<16xf32>,
      %add3A_973 = arith.constant 308 : i32
      %add3A_974 = vector.broadcast %add3A_973 : i32 to vector<16xi32>
      %add3A_975 = arith.addi %add3A_974, %shift_right_logical3A_87 : vector<16xi32>
      %gather3A_976 = tpu.vector_load_idx %arg7[%add3A_975, %and3A_89] : memref<448x8xf32, #tpu.memory_space<vmem>>[vector<16xi32>, vector<16xi32>], vector<16xf32>,
      %add3A_977 = arith.constant 310 : i32
      %add3A_978 = vector.broadcast %add3A_977 : i32 to vector<16xi32>
      %add3A_979 = arith.addi %add3A_978, %shift_right_logical3A_87 : vector<16xi32>
      %gather3A_980 = tpu.vector_load_idx %arg7[%add3A_979, %and3A_89] : memref<448x8xf32, #tpu.memory_space<vmem>>[vector<16xi32>, vector<16xi32>], vector<16xf32>,
      %add3A_981 = arith.constant 312 : i32
      %add3A_982 = vector.broadcast %add3A_981 : i32 to vector<16xi32>
      %add3A_983 = arith.addi %add3A_982, %shift_right_logical3A_87 : vector<16xi32>
      %gather3A_984 = tpu.vector_load_idx %arg7[%add3A_983, %and3A_89] : memref<448x8xf32, #tpu.memory_space<vmem>>[vector<16xi32>, vector<16xi32>], vector<16xf32>,
      %add3A_985 = arith.constant 314 : i32
      %add3A_986 = vector.broadcast %add3A_985 : i32 to vector<16xi32>
      %add3A_987 = arith.addi %add3A_986, %shift_right_logical3A_87 : vector<16xi32>
      %gather3A_988 = tpu.vector_load_idx %arg7[%add3A_987, %and3A_89] : memref<448x8xf32, #tpu.memory_space<vmem>>[vector<16xi32>, vector<16xi32>], vector<16xf32>,
      %add3A_989 = arith.constant 316 : i32
      %add3A_990 = vector.broadcast %add3A_989 : i32 to vector<16xi32>
      %add3A_991 = arith.addi %add3A_990, %shift_right_logical3A_87 : vector<16xi32>
      %gather3A_992 = tpu.vector_load_idx %arg7[%add3A_991, %and3A_89] : memref<448x8xf32, #tpu.memory_space<vmem>>[vector<16xi32>, vector<16xi32>], vector<16xf32>,
      %add3A_993 = arith.constant 318 : i32
      %add3A_994 = vector.broadcast %add3A_993 : i32 to vector<16xi32>
      %add3A_995 = arith.addi %add3A_994, %shift_right_logical3A_87 : vector<16xi32>
      %gather3A_996 = tpu.vector_load_idx %arg7[%add3A_995, %and3A_89] : memref<448x8xf32, #tpu.memory_space<vmem>>[vector<16xi32>, vector<16xi32>], vector<16xf32>,
      %add3A_997 = arith.constant 320 : i32
      %add3A_998 = vector.broadcast %add3A_997 : i32 to vector<16xi32>
      %add3A_999 = arith.addi %add3A_998, %shift_right_logical3A_87 : vector<16xi32>
      %gather3A_1000 = tpu.vector_load_idx %arg7[%add3A_999, %and3A_89] : memref<448x8xf32, #tpu.memory_space<vmem>>[vector<16xi32>, vector<16xi32>], vector<16xf32>,
      %add3A_1001 = arith.constant 322 : i32
      %add3A_1002 = vector.broadcast %add3A_1001 : i32 to vector<16xi32>
      %add3A_1003 = arith.addi %add3A_1002, %shift_right_logical3A_87 : vector<16xi32>
      %gather3A_1004 = tpu.vector_load_idx %arg7[%add3A_1003, %and3A_89] : memref<448x8xf32, #tpu.memory_space<vmem>>[vector<16xi32>, vector<16xi32>], vector<16xf32>,
      %add3A_1005 = arith.constant 324 : i32
      %add3A_1006 = vector.broadcast %add3A_1005 : i32 to vector<16xi32>
      %add3A_1007 = arith.addi %add3A_1006, %shift_right_logical3A_87 : vector<16xi32>
      %gather3A_1008 = tpu.vector_load_idx %arg7[%add3A_1007, %and3A_89] : memref<448x8xf32, #tpu.memory_space<vmem>>[vector<16xi32>, vector<16xi32>], vector<16xf32>,
      %add3A_1009 = arith.constant 326 : i32
      %add3A_1010 = vector.broadcast %add3A_1009 : i32 to vector<16xi32>
      %add3A_1011 = arith.addi %add3A_1010, %shift_right_logical3A_87 : vector<16xi32>
      %gather3A_1012 = tpu.vector_load_idx %arg7[%add3A_1011, %and3A_89] : memref<448x8xf32, #tpu.memory_space<vmem>>[vector<16xi32>, vector<16xi32>], vector<16xf32>,
      %add3A_1013 = arith.constant 328 : i32
      %add3A_1014 = vector.broadcast %add3A_1013 : i32 to vector<16xi32>
      %add3A_1015 = arith.addi %add3A_1014, %shift_right_logical3A_87 : vector<16xi32>
      %gather3A_1016 = tpu.vector_load_idx %arg7[%add3A_1015, %and3A_89] : memref<448x8xf32, #tpu.memory_space<vmem>>[vector<16xi32>, vector<16xi32>], vector<16xf32>,
      %add3A_1017 = arith.addf %gather3A_920, %gather3A_924 : vector<16xf32>
      %add3A_1018 = arith.addf %gather3A_928, %gather3A_932 : vector<16xf32>
      %add3A_1019 = arith.addf %gather3A_936, %gather3A_940 : vector<16xf32>
      %add3A_1020 = arith.addf %gather3A_944, %gather3A_948 : vector<16xf32>
      %add3A_1021 = arith.addf %gather3A_952, %gather3A_956 : vector<16xf32>
      %add3A_1022 = arith.addf %gather3A_960, %gather3A_964 : vector<16xf32>
      %add3A_1023 = arith.addf %gather3A_968, %gather3A_972 : vector<16xf32>
      %add3A_1024 = arith.addf %gather3A_976, %gather3A_980 : vector<16xf32>
      %add3A_1025 = arith.addf %gather3A_984, %gather3A_988 : vector<16xf32>
      %add3A_1026 = arith.addf %gather3A_992, %gather3A_996 : vector<16xf32>
      %add3A_1027 = arith.addf %gather3A_1000, %gather3A_1004 : vector<16xf32>
      %add3A_1028 = arith.addf %gather3A_1008, %gather3A_1012 : vector<16xf32>
      %add3A_1029 = arith.addf %add3A_1017, %add3A_1018 : vector<16xf32>
      %add3A_1030 = arith.addf %add3A_1019, %add3A_1020 : vector<16xf32>
      %add3A_1031 = arith.addf %add3A_1021, %add3A_1022 : vector<16xf32>
      %add3A_1032 = arith.addf %add3A_1023, %add3A_1024 : vector<16xf32>
      %add3A_1033 = arith.addf %add3A_1025, %add3A_1026 : vector<16xf32>
      %add3A_1034 = arith.addf %add3A_1027, %add3A_1028 : vector<16xf32>
      %add3A_1035 = arith.addf %add3A_1029, %add3A_1030 : vector<16xf32>
      %add3A_1036 = arith.addf %add3A_1031, %add3A_1032 : vector<16xf32>
      %add3A_1037 = arith.addf %add3A_1033, %add3A_1034 : vector<16xf32>
      %add3A_1038 = arith.addf %add3A_1035, %add3A_1036 : vector<16xf32>
      %add3A_1039 = arith.addf %add3A_1037, %gather3A_1016 : vector<16xf32>
      %add3A_1040 = arith.addf %add3A_1038, %add3A_1039 : vector<16xf32>
      %lt3A_1041 = arith.constant 0 : i32
      %lt3A_1042 = vector.broadcast %lt3A_1041 : i32 to vector<16xi32>
      %lt3A_1043 = arith.cmpi slt, %and3A_95, %lt3A_1042 : vector<16xi32>
      %add3A_1044 = arith.constant 16 : i32
      %add3A_1045 = vector.broadcast %add3A_1044 : i32 to vector<16xi32>
      %add3A_1046 = arith.addi %and3A_95, %add3A_1045 : vector<16xi32>
      %select_n3A_1047 = arith.select %lt3A_1043, %add3A_1046, %and3A_95 : vector<16xi1>, vector<16xi32>
      %broadcast_in_dim3A_1048 = vector.shape_cast %select_n3A_1047 : vector<16xi32> to vector<16x1xi32>
      %gather3A_1049 = vector.shape_cast %broadcast_in_dim3A_1048 : vector<16x1xi32> to vector<16xi32>
      %gather3A_1050 = tpu.dynamic_gather %add3A_1040[%gather3A_1049] in [0] : vector<16xf32>, vector<16xi32> -> vector<16xf32>
      %add3A_1051 = arith.addf %add3A_1040, %gather3A_1050 : vector<16xf32>
      %get3A_1052 = arith.constant 0 : index
      %get3A_1053 = tpu.vector_load %arg9[%get3A_1052] {strides = array<i32>} : memref<16xf32, #tpu.memory_space<vmem>>, vector<16xf32>,
      %add3A_1054 = arith.addf %add3A_1051, %get3A_1053 : vector<16xf32>
      %swap3A_1055 = arith.index_cast %add3A_906 : i32 to index
      %swap3A_1056 = arith.constant 0 : index
      %swap3A_1057 = tpu.vector_load %arg8[%swap3A_1055, %swap3A_1056] {strides = array<i32>} : memref<512x16xf32, #tpu.memory_space<vmem>>, vector<16xf32>,
      tpu.vector_store %arg8[%swap3A_1055, %swap3A_1056], %add3A_1054 {strides = array<i32>} : memref<512x16xf32, #tpu.memory_space<vmem>>, vector<16xf32>,
      %add3A_1058 = arith.constant 8 : i32
      %add3A_1059 = arith.addi %add3A_906, %add3A_1058 : i32
      %lt3A_1060 = arith.constant 512 : i32
      %lt3A_1061 = arith.cmpi slt, %add3A_1059, %lt3A_1060 : i32
      %convert_element_type3A_1062 = arith.extui %lt3A_1061 : i1 to i32
      %cond3A_1063 = arith.constant 0 : i32
      %cond3A_1064 = arith.cmpi ne, %convert_element_type3A_1062, %cond3A_1063 : i32
      scf.if %cond3A_1064 {
        %add3A_1389 = arith.constant 8 : i32
        %add3A_1390 = arith.addi %add3A_906, %add3A_1389 : i32
        %dma_start3A_1391 = arith.constant 280 : i32
        %dma_start3A_1392 = arith.constant 0 : i32
        %dma_start3A_1393 = tpu.memref_slice %arg7[%dma_start3A_1391, %dma_start3A_1392] : memref<448x8xf32, #tpu.memory_space<vmem>> -> memref<56x8xf32, #tpu.memory_space<vmem>>
        %dma_start3A_1394 = arith.constant 0 : i32
        %dma_start3A_1395 = tpu.memref_slice %arg6[%add3A_1390, %dma_start3A_1394] : memref<512x128xi32, #tpu.memory_space<vmem>> -> memref<1x56xi32, #tpu.memory_space<vmem>>
        %dma_start3A_1396 = tpu.memref_squeeze %dma_start3A_1395 : memref<1x56xi32, #tpu.memory_space<vmem>> -> memref<56xi32, #tpu.memory_space<vmem>>
        %dma_start3A_1397 = arith.constant 0 : i32
        %dma_start3A_1398 = arith.constant 0 : i32
        %dma_start3A_1399 = tpu.memref_slice %arg10[%dma_start3A_1397, %dma_start3A_1398] : memref<100000x8xf32, #tpu.memory_space<vmem_shared>> -> memref<100000x8xf32, #tpu.memory_space<vmem_shared>>
        tpu.enqueue_indirect_dma source(%dma_start3A_1399 : memref<100000x8xf32, #tpu.memory_space<vmem_shared>>) target(%dma_start3A_1393 : memref<56x8xf32, #tpu.memory_space<vmem>>) offsets(%dma_start3A_1396 : memref<56xi32, #tpu.memory_space<vmem>>) semaphore(%arg17 : memref<!tpu.dma_semaphore, #tpu.memory_space<semaphore_mem>>)
      } else {
      }
      %mul3A_1065 = arith.constant 8 : i32
      %mul3A_1066 = arith.muli %scan3A_101, %mul3A_1065 : i32
      %add3A_1067 = arith.constant 6 : i32
      %add3A_1068 = arith.addi %mul3A_1066, %add3A_1067 : i32
      %dma_wait3A_1069 = arith.constant 6 : i32
      %dma_wait3A_1070 = arith.constant 336 : i32
      %dma_wait3A_1071 = arith.constant 0 : i32
      %dma_wait3A_1072 = tpu.memref_slice %arg7[%dma_wait3A_1070, %dma_wait3A_1071] : memref<448x8xf32, #tpu.memory_space<vmem>> -> memref<56x8xf32, #tpu.memory_space<vmem>>
      %dma_wait3A_1073 = arith.constant 0 : i32
      %dma_wait3A_1074 = tpu.memref_slice %arg6[%dma_wait3A_1069, %dma_wait3A_1073] : memref<512x128xi32, #tpu.memory_space<vmem>> -> memref<1x56xi32, #tpu.memory_space<vmem>>
      %dma_wait3A_1075 = tpu.memref_squeeze %dma_wait3A_1074 : memref<1x56xi32, #tpu.memory_space<vmem>> -> memref<56xi32, #tpu.memory_space<vmem>>
      %dma_wait3A_1076 = arith.constant 0 : i32
      %dma_wait3A_1077 = arith.constant 0 : i32
      %dma_wait3A_1078 = tpu.memref_slice %arg10[%dma_wait3A_1076, %dma_wait3A_1077] : memref<100000x8xf32, #tpu.memory_space<vmem_shared>> -> memref<100000x8xf32, #tpu.memory_space<vmem_shared>>
      tpu.wait_indirect_dma semaphore(%arg18 : memref<!tpu.dma_semaphore, #tpu.memory_space<semaphore_mem>>) src(%dma_wait3A_1078 : memref<100000x8xf32, #tpu.memory_space<vmem_shared>>) dst(%dma_wait3A_1072 : memref<56x8xf32, #tpu.memory_space<vmem>>)
      %add3A_1079 = arith.constant 336 : i32
      %add3A_1080 = vector.broadcast %add3A_1079 : i32 to vector<16xi32>
      %add3A_1081 = arith.addi %add3A_1080, %shift_right_logical3A_87 : vector<16xi32>
      %gather3A_1082 = tpu.vector_load_idx %arg7[%add3A_1081, %and3A_89] : memref<448x8xf32, #tpu.memory_space<vmem>>[vector<16xi32>, vector<16xi32>], vector<16xf32>,
      %add3A_1083 = arith.constant 338 : i32
      %add3A_1084 = vector.broadcast %add3A_1083 : i32 to vector<16xi32>
      %add3A_1085 = arith.addi %add3A_1084, %shift_right_logical3A_87 : vector<16xi32>
      %gather3A_1086 = tpu.vector_load_idx %arg7[%add3A_1085, %and3A_89] : memref<448x8xf32, #tpu.memory_space<vmem>>[vector<16xi32>, vector<16xi32>], vector<16xf32>,
      %add3A_1087 = arith.constant 340 : i32
      %add3A_1088 = vector.broadcast %add3A_1087 : i32 to vector<16xi32>
      %add3A_1089 = arith.addi %add3A_1088, %shift_right_logical3A_87 : vector<16xi32>
      %gather3A_1090 = tpu.vector_load_idx %arg7[%add3A_1089, %and3A_89] : memref<448x8xf32, #tpu.memory_space<vmem>>[vector<16xi32>, vector<16xi32>], vector<16xf32>,
      %add3A_1091 = arith.constant 342 : i32
      %add3A_1092 = vector.broadcast %add3A_1091 : i32 to vector<16xi32>
      %add3A_1093 = arith.addi %add3A_1092, %shift_right_logical3A_87 : vector<16xi32>
      %gather3A_1094 = tpu.vector_load_idx %arg7[%add3A_1093, %and3A_89] : memref<448x8xf32, #tpu.memory_space<vmem>>[vector<16xi32>, vector<16xi32>], vector<16xf32>,
      %add3A_1095 = arith.constant 344 : i32
      %add3A_1096 = vector.broadcast %add3A_1095 : i32 to vector<16xi32>
      %add3A_1097 = arith.addi %add3A_1096, %shift_right_logical3A_87 : vector<16xi32>
      %gather3A_1098 = tpu.vector_load_idx %arg7[%add3A_1097, %and3A_89] : memref<448x8xf32, #tpu.memory_space<vmem>>[vector<16xi32>, vector<16xi32>], vector<16xf32>,
      %add3A_1099 = arith.constant 346 : i32
      %add3A_1100 = vector.broadcast %add3A_1099 : i32 to vector<16xi32>
      %add3A_1101 = arith.addi %add3A_1100, %shift_right_logical3A_87 : vector<16xi32>
      %gather3A_1102 = tpu.vector_load_idx %arg7[%add3A_1101, %and3A_89] : memref<448x8xf32, #tpu.memory_space<vmem>>[vector<16xi32>, vector<16xi32>], vector<16xf32>,
      %add3A_1103 = arith.constant 348 : i32
      %add3A_1104 = vector.broadcast %add3A_1103 : i32 to vector<16xi32>
      %add3A_1105 = arith.addi %add3A_1104, %shift_right_logical3A_87 : vector<16xi32>
      %gather3A_1106 = tpu.vector_load_idx %arg7[%add3A_1105, %and3A_89] : memref<448x8xf32, #tpu.memory_space<vmem>>[vector<16xi32>, vector<16xi32>], vector<16xf32>,
      %add3A_1107 = arith.constant 350 : i32
      %add3A_1108 = vector.broadcast %add3A_1107 : i32 to vector<16xi32>
      %add3A_1109 = arith.addi %add3A_1108, %shift_right_logical3A_87 : vector<16xi32>
      %gather3A_1110 = tpu.vector_load_idx %arg7[%add3A_1109, %and3A_89] : memref<448x8xf32, #tpu.memory_space<vmem>>[vector<16xi32>, vector<16xi32>], vector<16xf32>,
      %add3A_1111 = arith.constant 352 : i32
      %add3A_1112 = vector.broadcast %add3A_1111 : i32 to vector<16xi32>
      %add3A_1113 = arith.addi %add3A_1112, %shift_right_logical3A_87 : vector<16xi32>
      %gather3A_1114 = tpu.vector_load_idx %arg7[%add3A_1113, %and3A_89] : memref<448x8xf32, #tpu.memory_space<vmem>>[vector<16xi32>, vector<16xi32>], vector<16xf32>,
      %add3A_1115 = arith.constant 354 : i32
      %add3A_1116 = vector.broadcast %add3A_1115 : i32 to vector<16xi32>
      %add3A_1117 = arith.addi %add3A_1116, %shift_right_logical3A_87 : vector<16xi32>
      %gather3A_1118 = tpu.vector_load_idx %arg7[%add3A_1117, %and3A_89] : memref<448x8xf32, #tpu.memory_space<vmem>>[vector<16xi32>, vector<16xi32>], vector<16xf32>,
      %add3A_1119 = arith.constant 356 : i32
      %add3A_1120 = vector.broadcast %add3A_1119 : i32 to vector<16xi32>
      %add3A_1121 = arith.addi %add3A_1120, %shift_right_logical3A_87 : vector<16xi32>
      %gather3A_1122 = tpu.vector_load_idx %arg7[%add3A_1121, %and3A_89] : memref<448x8xf32, #tpu.memory_space<vmem>>[vector<16xi32>, vector<16xi32>], vector<16xf32>,
      %add3A_1123 = arith.constant 358 : i32
      %add3A_1124 = vector.broadcast %add3A_1123 : i32 to vector<16xi32>
      %add3A_1125 = arith.addi %add3A_1124, %shift_right_logical3A_87 : vector<16xi32>
      %gather3A_1126 = tpu.vector_load_idx %arg7[%add3A_1125, %and3A_89] : memref<448x8xf32, #tpu.memory_space<vmem>>[vector<16xi32>, vector<16xi32>], vector<16xf32>,
      %add3A_1127 = arith.constant 360 : i32
      %add3A_1128 = vector.broadcast %add3A_1127 : i32 to vector<16xi32>
      %add3A_1129 = arith.addi %add3A_1128, %shift_right_logical3A_87 : vector<16xi32>
      %gather3A_1130 = tpu.vector_load_idx %arg7[%add3A_1129, %and3A_89] : memref<448x8xf32, #tpu.memory_space<vmem>>[vector<16xi32>, vector<16xi32>], vector<16xf32>,
      %add3A_1131 = arith.constant 362 : i32
      %add3A_1132 = vector.broadcast %add3A_1131 : i32 to vector<16xi32>
      %add3A_1133 = arith.addi %add3A_1132, %shift_right_logical3A_87 : vector<16xi32>
      %gather3A_1134 = tpu.vector_load_idx %arg7[%add3A_1133, %and3A_89] : memref<448x8xf32, #tpu.memory_space<vmem>>[vector<16xi32>, vector<16xi32>], vector<16xf32>,
      %add3A_1135 = arith.constant 364 : i32
      %add3A_1136 = vector.broadcast %add3A_1135 : i32 to vector<16xi32>
      %add3A_1137 = arith.addi %add3A_1136, %shift_right_logical3A_87 : vector<16xi32>
      %gather3A_1138 = tpu.vector_load_idx %arg7[%add3A_1137, %and3A_89] : memref<448x8xf32, #tpu.memory_space<vmem>>[vector<16xi32>, vector<16xi32>], vector<16xf32>,
      %add3A_1139 = arith.constant 366 : i32
      %add3A_1140 = vector.broadcast %add3A_1139 : i32 to vector<16xi32>
      %add3A_1141 = arith.addi %add3A_1140, %shift_right_logical3A_87 : vector<16xi32>
      %gather3A_1142 = tpu.vector_load_idx %arg7[%add3A_1141, %and3A_89] : memref<448x8xf32, #tpu.memory_space<vmem>>[vector<16xi32>, vector<16xi32>], vector<16xf32>,
      %add3A_1143 = arith.constant 368 : i32
      %add3A_1144 = vector.broadcast %add3A_1143 : i32 to vector<16xi32>
      %add3A_1145 = arith.addi %add3A_1144, %shift_right_logical3A_87 : vector<16xi32>
      %gather3A_1146 = tpu.vector_load_idx %arg7[%add3A_1145, %and3A_89] : memref<448x8xf32, #tpu.memory_space<vmem>>[vector<16xi32>, vector<16xi32>], vector<16xf32>,
      %add3A_1147 = arith.constant 370 : i32
      %add3A_1148 = vector.broadcast %add3A_1147 : i32 to vector<16xi32>
      %add3A_1149 = arith.addi %add3A_1148, %shift_right_logical3A_87 : vector<16xi32>
      %gather3A_1150 = tpu.vector_load_idx %arg7[%add3A_1149, %and3A_89] : memref<448x8xf32, #tpu.memory_space<vmem>>[vector<16xi32>, vector<16xi32>], vector<16xf32>,
      %add3A_1151 = arith.constant 372 : i32
      %add3A_1152 = vector.broadcast %add3A_1151 : i32 to vector<16xi32>
      %add3A_1153 = arith.addi %add3A_1152, %shift_right_logical3A_87 : vector<16xi32>
      %gather3A_1154 = tpu.vector_load_idx %arg7[%add3A_1153, %and3A_89] : memref<448x8xf32, #tpu.memory_space<vmem>>[vector<16xi32>, vector<16xi32>], vector<16xf32>,
      %add3A_1155 = arith.constant 374 : i32
      %add3A_1156 = vector.broadcast %add3A_1155 : i32 to vector<16xi32>
      %add3A_1157 = arith.addi %add3A_1156, %shift_right_logical3A_87 : vector<16xi32>
      %gather3A_1158 = tpu.vector_load_idx %arg7[%add3A_1157, %and3A_89] : memref<448x8xf32, #tpu.memory_space<vmem>>[vector<16xi32>, vector<16xi32>], vector<16xf32>,
      %add3A_1159 = arith.constant 376 : i32
      %add3A_1160 = vector.broadcast %add3A_1159 : i32 to vector<16xi32>
      %add3A_1161 = arith.addi %add3A_1160, %shift_right_logical3A_87 : vector<16xi32>
      %gather3A_1162 = tpu.vector_load_idx %arg7[%add3A_1161, %and3A_89] : memref<448x8xf32, #tpu.memory_space<vmem>>[vector<16xi32>, vector<16xi32>], vector<16xf32>,
      %add3A_1163 = arith.constant 378 : i32
      %add3A_1164 = vector.broadcast %add3A_1163 : i32 to vector<16xi32>
      %add3A_1165 = arith.addi %add3A_1164, %shift_right_logical3A_87 : vector<16xi32>
      %gather3A_1166 = tpu.vector_load_idx %arg7[%add3A_1165, %and3A_89] : memref<448x8xf32, #tpu.memory_space<vmem>>[vector<16xi32>, vector<16xi32>], vector<16xf32>,
      %add3A_1167 = arith.constant 380 : i32
      %add3A_1168 = vector.broadcast %add3A_1167 : i32 to vector<16xi32>
      %add3A_1169 = arith.addi %add3A_1168, %shift_right_logical3A_87 : vector<16xi32>
      %gather3A_1170 = tpu.vector_load_idx %arg7[%add3A_1169, %and3A_89] : memref<448x8xf32, #tpu.memory_space<vmem>>[vector<16xi32>, vector<16xi32>], vector<16xf32>,
      %add3A_1171 = arith.constant 382 : i32
      %add3A_1172 = vector.broadcast %add3A_1171 : i32 to vector<16xi32>
      %add3A_1173 = arith.addi %add3A_1172, %shift_right_logical3A_87 : vector<16xi32>
      %gather3A_1174 = tpu.vector_load_idx %arg7[%add3A_1173, %and3A_89] : memref<448x8xf32, #tpu.memory_space<vmem>>[vector<16xi32>, vector<16xi32>], vector<16xf32>,
      %add3A_1175 = arith.constant 384 : i32
      %add3A_1176 = vector.broadcast %add3A_1175 : i32 to vector<16xi32>
      %add3A_1177 = arith.addi %add3A_1176, %shift_right_logical3A_87 : vector<16xi32>
      %gather3A_1178 = tpu.vector_load_idx %arg7[%add3A_1177, %and3A_89] : memref<448x8xf32, #tpu.memory_space<vmem>>[vector<16xi32>, vector<16xi32>], vector<16xf32>,
      %add3A_1179 = arith.addf %gather3A_1082, %gather3A_1086 : vector<16xf32>
      %add3A_1180 = arith.addf %gather3A_1090, %gather3A_1094 : vector<16xf32>
      %add3A_1181 = arith.addf %gather3A_1098, %gather3A_1102 : vector<16xf32>
      %add3A_1182 = arith.addf %gather3A_1106, %gather3A_1110 : vector<16xf32>
      %add3A_1183 = arith.addf %gather3A_1114, %gather3A_1118 : vector<16xf32>
      %add3A_1184 = arith.addf %gather3A_1122, %gather3A_1126 : vector<16xf32>
      %add3A_1185 = arith.addf %gather3A_1130, %gather3A_1134 : vector<16xf32>
      %add3A_1186 = arith.addf %gather3A_1138, %gather3A_1142 : vector<16xf32>
      %add3A_1187 = arith.addf %gather3A_1146, %gather3A_1150 : vector<16xf32>
      %add3A_1188 = arith.addf %gather3A_1154, %gather3A_1158 : vector<16xf32>
      %add3A_1189 = arith.addf %gather3A_1162, %gather3A_1166 : vector<16xf32>
      %add3A_1190 = arith.addf %gather3A_1170, %gather3A_1174 : vector<16xf32>
      %add3A_1191 = arith.addf %add3A_1179, %add3A_1180 : vector<16xf32>
      %add3A_1192 = arith.addf %add3A_1181, %add3A_1182 : vector<16xf32>
      %add3A_1193 = arith.addf %add3A_1183, %add3A_1184 : vector<16xf32>
      %add3A_1194 = arith.addf %add3A_1185, %add3A_1186 : vector<16xf32>
      %add3A_1195 = arith.addf %add3A_1187, %add3A_1188 : vector<16xf32>
      %add3A_1196 = arith.addf %add3A_1189, %add3A_1190 : vector<16xf32>
      %add3A_1197 = arith.addf %add3A_1191, %add3A_1192 : vector<16xf32>
      %add3A_1198 = arith.addf %add3A_1193, %add3A_1194 : vector<16xf32>
      %add3A_1199 = arith.addf %add3A_1195, %add3A_1196 : vector<16xf32>
      %add3A_1200 = arith.addf %add3A_1197, %add3A_1198 : vector<16xf32>
      %add3A_1201 = arith.addf %add3A_1199, %gather3A_1178 : vector<16xf32>
      %add3A_1202 = arith.addf %add3A_1200, %add3A_1201 : vector<16xf32>
      %lt3A_1203 = arith.constant 0 : i32
      %lt3A_1204 = vector.broadcast %lt3A_1203 : i32 to vector<16xi32>
      %lt3A_1205 = arith.cmpi slt, %and3A_95, %lt3A_1204 : vector<16xi32>
      %add3A_1206 = arith.constant 16 : i32
      %add3A_1207 = vector.broadcast %add3A_1206 : i32 to vector<16xi32>
      %add3A_1208 = arith.addi %and3A_95, %add3A_1207 : vector<16xi32>
      %select_n3A_1209 = arith.select %lt3A_1205, %add3A_1208, %and3A_95 : vector<16xi1>, vector<16xi32>
      %broadcast_in_dim3A_1210 = vector.shape_cast %select_n3A_1209 : vector<16xi32> to vector<16x1xi32>
      %gather3A_1211 = vector.shape_cast %broadcast_in_dim3A_1210 : vector<16x1xi32> to vector<16xi32>
      %gather3A_1212 = tpu.dynamic_gather %add3A_1202[%gather3A_1211] in [0] : vector<16xf32>, vector<16xi32> -> vector<16xf32>
      %add3A_1213 = arith.addf %add3A_1202, %gather3A_1212 : vector<16xf32>
      %get3A_1214 = arith.constant 0 : index
      %get3A_1215 = tpu.vector_load %arg9[%get3A_1214] {strides = array<i32>} : memref<16xf32, #tpu.memory_space<vmem>>, vector<16xf32>,
      %add3A_1216 = arith.addf %add3A_1213, %get3A_1215 : vector<16xf32>
      %swap3A_1217 = arith.index_cast %add3A_1068 : i32 to index
      %swap3A_1218 = arith.constant 0 : index
      %swap3A_1219 = tpu.vector_load %arg8[%swap3A_1217, %swap3A_1218] {strides = array<i32>} : memref<512x16xf32, #tpu.memory_space<vmem>>, vector<16xf32>,
      tpu.vector_store %arg8[%swap3A_1217, %swap3A_1218], %add3A_1216 {strides = array<i32>} : memref<512x16xf32, #tpu.memory_space<vmem>>, vector<16xf32>,
      %add3A_1220 = arith.constant 8 : i32
      %add3A_1221 = arith.addi %add3A_1068, %add3A_1220 : i32
      %lt3A_1222 = arith.constant 512 : i32
      %lt3A_1223 = arith.cmpi slt, %add3A_1221, %lt3A_1222 : i32
      %convert_element_type3A_1224 = arith.extui %lt3A_1223 : i1 to i32
      %cond3A_1225 = arith.constant 0 : i32
      %cond3A_1226 = arith.cmpi ne, %convert_element_type3A_1224, %cond3A_1225 : i32
      scf.if %cond3A_1226 {
        %add3A_1389 = arith.constant 8 : i32
        %add3A_1390 = arith.addi %add3A_1068, %add3A_1389 : i32
        %dma_start3A_1391 = arith.constant 336 : i32
        %dma_start3A_1392 = arith.constant 0 : i32
        %dma_start3A_1393 = tpu.memref_slice %arg7[%dma_start3A_1391, %dma_start3A_1392] : memref<448x8xf32, #tpu.memory_space<vmem>> -> memref<56x8xf32, #tpu.memory_space<vmem>>
        %dma_start3A_1394 = arith.constant 0 : i32
        %dma_start3A_1395 = tpu.memref_slice %arg6[%add3A_1390, %dma_start3A_1394] : memref<512x128xi32, #tpu.memory_space<vmem>> -> memref<1x56xi32, #tpu.memory_space<vmem>>
        %dma_start3A_1396 = tpu.memref_squeeze %dma_start3A_1395 : memref<1x56xi32, #tpu.memory_space<vmem>> -> memref<56xi32, #tpu.memory_space<vmem>>
        %dma_start3A_1397 = arith.constant 0 : i32
        %dma_start3A_1398 = arith.constant 0 : i32
        %dma_start3A_1399 = tpu.memref_slice %arg10[%dma_start3A_1397, %dma_start3A_1398] : memref<100000x8xf32, #tpu.memory_space<vmem_shared>> -> memref<100000x8xf32, #tpu.memory_space<vmem_shared>>
        tpu.enqueue_indirect_dma source(%dma_start3A_1399 : memref<100000x8xf32, #tpu.memory_space<vmem_shared>>) target(%dma_start3A_1393 : memref<56x8xf32, #tpu.memory_space<vmem>>) offsets(%dma_start3A_1396 : memref<56xi32, #tpu.memory_space<vmem>>) semaphore(%arg18 : memref<!tpu.dma_semaphore, #tpu.memory_space<semaphore_mem>>)
      } else {
      }
      %mul3A_1227 = arith.constant 8 : i32
      %mul3A_1228 = arith.muli %scan3A_101, %mul3A_1227 : i32
      %add3A_1229 = arith.constant 7 : i32
      %add3A_1230 = arith.addi %mul3A_1228, %add3A_1229 : i32
      %dma_wait3A_1231 = arith.constant 7 : i32
      %dma_wait3A_1232 = arith.constant 392 : i32
      %dma_wait3A_1233 = arith.constant 0 : i32
      %dma_wait3A_1234 = tpu.memref_slice %arg7[%dma_wait3A_1232, %dma_wait3A_1233] : memref<448x8xf32, #tpu.memory_space<vmem>> -> memref<56x8xf32, #tpu.memory_space<vmem>>
      %dma_wait3A_1235 = arith.constant 0 : i32
      %dma_wait3A_1236 = tpu.memref_slice %arg6[%dma_wait3A_1231, %dma_wait3A_1235] : memref<512x128xi32, #tpu.memory_space<vmem>> -> memref<1x56xi32, #tpu.memory_space<vmem>>
      %dma_wait3A_1237 = tpu.memref_squeeze %dma_wait3A_1236 : memref<1x56xi32, #tpu.memory_space<vmem>> -> memref<56xi32, #tpu.memory_space<vmem>>
      %dma_wait3A_1238 = arith.constant 0 : i32
      %dma_wait3A_1239 = arith.constant 0 : i32
      %dma_wait3A_1240 = tpu.memref_slice %arg10[%dma_wait3A_1238, %dma_wait3A_1239] : memref<100000x8xf32, #tpu.memory_space<vmem_shared>> -> memref<100000x8xf32, #tpu.memory_space<vmem_shared>>
      tpu.wait_indirect_dma semaphore(%arg19 : memref<!tpu.dma_semaphore, #tpu.memory_space<semaphore_mem>>) src(%dma_wait3A_1240 : memref<100000x8xf32, #tpu.memory_space<vmem_shared>>) dst(%dma_wait3A_1234 : memref<56x8xf32, #tpu.memory_space<vmem>>)
      %add3A_1241 = arith.constant 392 : i32
      %add3A_1242 = vector.broadcast %add3A_1241 : i32 to vector<16xi32>
      %add3A_1243 = arith.addi %add3A_1242, %shift_right_logical3A_87 : vector<16xi32>
      %gather3A_1244 = tpu.vector_load_idx %arg7[%add3A_1243, %and3A_89] : memref<448x8xf32, #tpu.memory_space<vmem>>[vector<16xi32>, vector<16xi32>], vector<16xf32>,
      %add3A_1245 = arith.constant 394 : i32
      %add3A_1246 = vector.broadcast %add3A_1245 : i32 to vector<16xi32>
      %add3A_1247 = arith.addi %add3A_1246, %shift_right_logical3A_87 : vector<16xi32>
      %gather3A_1248 = tpu.vector_load_idx %arg7[%add3A_1247, %and3A_89] : memref<448x8xf32, #tpu.memory_space<vmem>>[vector<16xi32>, vector<16xi32>], vector<16xf32>,
      %add3A_1249 = arith.constant 396 : i32
      %add3A_1250 = vector.broadcast %add3A_1249 : i32 to vector<16xi32>
      %add3A_1251 = arith.addi %add3A_1250, %shift_right_logical3A_87 : vector<16xi32>
      %gather3A_1252 = tpu.vector_load_idx %arg7[%add3A_1251, %and3A_89] : memref<448x8xf32, #tpu.memory_space<vmem>>[vector<16xi32>, vector<16xi32>], vector<16xf32>,
      %add3A_1253 = arith.constant 398 : i32
      %add3A_1254 = vector.broadcast %add3A_1253 : i32 to vector<16xi32>
      %add3A_1255 = arith.addi %add3A_1254, %shift_right_logical3A_87 : vector<16xi32>
      %gather3A_1256 = tpu.vector_load_idx %arg7[%add3A_1255, %and3A_89] : memref<448x8xf32, #tpu.memory_space<vmem>>[vector<16xi32>, vector<16xi32>], vector<16xf32>,
      %add3A_1257 = arith.constant 400 : i32
      %add3A_1258 = vector.broadcast %add3A_1257 : i32 to vector<16xi32>
      %add3A_1259 = arith.addi %add3A_1258, %shift_right_logical3A_87 : vector<16xi32>
      %gather3A_1260 = tpu.vector_load_idx %arg7[%add3A_1259, %and3A_89] : memref<448x8xf32, #tpu.memory_space<vmem>>[vector<16xi32>, vector<16xi32>], vector<16xf32>,
      %add3A_1261 = arith.constant 402 : i32
      %add3A_1262 = vector.broadcast %add3A_1261 : i32 to vector<16xi32>
      %add3A_1263 = arith.addi %add3A_1262, %shift_right_logical3A_87 : vector<16xi32>
      %gather3A_1264 = tpu.vector_load_idx %arg7[%add3A_1263, %and3A_89] : memref<448x8xf32, #tpu.memory_space<vmem>>[vector<16xi32>, vector<16xi32>], vector<16xf32>,
      %add3A_1265 = arith.constant 404 : i32
      %add3A_1266 = vector.broadcast %add3A_1265 : i32 to vector<16xi32>
      %add3A_1267 = arith.addi %add3A_1266, %shift_right_logical3A_87 : vector<16xi32>
      %gather3A_1268 = tpu.vector_load_idx %arg7[%add3A_1267, %and3A_89] : memref<448x8xf32, #tpu.memory_space<vmem>>[vector<16xi32>, vector<16xi32>], vector<16xf32>,
      %add3A_1269 = arith.constant 406 : i32
      %add3A_1270 = vector.broadcast %add3A_1269 : i32 to vector<16xi32>
      %add3A_1271 = arith.addi %add3A_1270, %shift_right_logical3A_87 : vector<16xi32>
      %gather3A_1272 = tpu.vector_load_idx %arg7[%add3A_1271, %and3A_89] : memref<448x8xf32, #tpu.memory_space<vmem>>[vector<16xi32>, vector<16xi32>], vector<16xf32>,
      %add3A_1273 = arith.constant 408 : i32
      %add3A_1274 = vector.broadcast %add3A_1273 : i32 to vector<16xi32>
      %add3A_1275 = arith.addi %add3A_1274, %shift_right_logical3A_87 : vector<16xi32>
      %gather3A_1276 = tpu.vector_load_idx %arg7[%add3A_1275, %and3A_89] : memref<448x8xf32, #tpu.memory_space<vmem>>[vector<16xi32>, vector<16xi32>], vector<16xf32>,
      %add3A_1277 = arith.constant 410 : i32
      %add3A_1278 = vector.broadcast %add3A_1277 : i32 to vector<16xi32>
      %add3A_1279 = arith.addi %add3A_1278, %shift_right_logical3A_87 : vector<16xi32>
      %gather3A_1280 = tpu.vector_load_idx %arg7[%add3A_1279, %and3A_89] : memref<448x8xf32, #tpu.memory_space<vmem>>[vector<16xi32>, vector<16xi32>], vector<16xf32>,
      %add3A_1281 = arith.constant 412 : i32
      %add3A_1282 = vector.broadcast %add3A_1281 : i32 to vector<16xi32>
      %add3A_1283 = arith.addi %add3A_1282, %shift_right_logical3A_87 : vector<16xi32>
      %gather3A_1284 = tpu.vector_load_idx %arg7[%add3A_1283, %and3A_89] : memref<448x8xf32, #tpu.memory_space<vmem>>[vector<16xi32>, vector<16xi32>], vector<16xf32>,
      %add3A_1285 = arith.constant 414 : i32
      %add3A_1286 = vector.broadcast %add3A_1285 : i32 to vector<16xi32>
      %add3A_1287 = arith.addi %add3A_1286, %shift_right_logical3A_87 : vector<16xi32>
      %gather3A_1288 = tpu.vector_load_idx %arg7[%add3A_1287, %and3A_89] : memref<448x8xf32, #tpu.memory_space<vmem>>[vector<16xi32>, vector<16xi32>], vector<16xf32>,
      %add3A_1289 = arith.constant 416 : i32
      %add3A_1290 = vector.broadcast %add3A_1289 : i32 to vector<16xi32>
      %add3A_1291 = arith.addi %add3A_1290, %shift_right_logical3A_87 : vector<16xi32>
      %gather3A_1292 = tpu.vector_load_idx %arg7[%add3A_1291, %and3A_89] : memref<448x8xf32, #tpu.memory_space<vmem>>[vector<16xi32>, vector<16xi32>], vector<16xf32>,
      %add3A_1293 = arith.constant 418 : i32
      %add3A_1294 = vector.broadcast %add3A_1293 : i32 to vector<16xi32>
      %add3A_1295 = arith.addi %add3A_1294, %shift_right_logical3A_87 : vector<16xi32>
      %gather3A_1296 = tpu.vector_load_idx %arg7[%add3A_1295, %and3A_89] : memref<448x8xf32, #tpu.memory_space<vmem>>[vector<16xi32>, vector<16xi32>], vector<16xf32>,
      %add3A_1297 = arith.constant 420 : i32
      %add3A_1298 = vector.broadcast %add3A_1297 : i32 to vector<16xi32>
      %add3A_1299 = arith.addi %add3A_1298, %shift_right_logical3A_87 : vector<16xi32>
      %gather3A_1300 = tpu.vector_load_idx %arg7[%add3A_1299, %and3A_89] : memref<448x8xf32, #tpu.memory_space<vmem>>[vector<16xi32>, vector<16xi32>], vector<16xf32>,
      %add3A_1301 = arith.constant 422 : i32
      %add3A_1302 = vector.broadcast %add3A_1301 : i32 to vector<16xi32>
      %add3A_1303 = arith.addi %add3A_1302, %shift_right_logical3A_87 : vector<16xi32>
      %gather3A_1304 = tpu.vector_load_idx %arg7[%add3A_1303, %and3A_89] : memref<448x8xf32, #tpu.memory_space<vmem>>[vector<16xi32>, vector<16xi32>], vector<16xf32>,
      %add3A_1305 = arith.constant 424 : i32
      %add3A_1306 = vector.broadcast %add3A_1305 : i32 to vector<16xi32>
      %add3A_1307 = arith.addi %add3A_1306, %shift_right_logical3A_87 : vector<16xi32>
      %gather3A_1308 = tpu.vector_load_idx %arg7[%add3A_1307, %and3A_89] : memref<448x8xf32, #tpu.memory_space<vmem>>[vector<16xi32>, vector<16xi32>], vector<16xf32>,
      %add3A_1309 = arith.constant 426 : i32
      %add3A_1310 = vector.broadcast %add3A_1309 : i32 to vector<16xi32>
      %add3A_1311 = arith.addi %add3A_1310, %shift_right_logical3A_87 : vector<16xi32>
      %gather3A_1312 = tpu.vector_load_idx %arg7[%add3A_1311, %and3A_89] : memref<448x8xf32, #tpu.memory_space<vmem>>[vector<16xi32>, vector<16xi32>], vector<16xf32>,
      %add3A_1313 = arith.constant 428 : i32
      %add3A_1314 = vector.broadcast %add3A_1313 : i32 to vector<16xi32>
      %add3A_1315 = arith.addi %add3A_1314, %shift_right_logical3A_87 : vector<16xi32>
      %gather3A_1316 = tpu.vector_load_idx %arg7[%add3A_1315, %and3A_89] : memref<448x8xf32, #tpu.memory_space<vmem>>[vector<16xi32>, vector<16xi32>], vector<16xf32>,
      %add3A_1317 = arith.constant 430 : i32
      %add3A_1318 = vector.broadcast %add3A_1317 : i32 to vector<16xi32>
      %add3A_1319 = arith.addi %add3A_1318, %shift_right_logical3A_87 : vector<16xi32>
      %gather3A_1320 = tpu.vector_load_idx %arg7[%add3A_1319, %and3A_89] : memref<448x8xf32, #tpu.memory_space<vmem>>[vector<16xi32>, vector<16xi32>], vector<16xf32>,
      %add3A_1321 = arith.constant 432 : i32
      %add3A_1322 = vector.broadcast %add3A_1321 : i32 to vector<16xi32>
      %add3A_1323 = arith.addi %add3A_1322, %shift_right_logical3A_87 : vector<16xi32>
      %gather3A_1324 = tpu.vector_load_idx %arg7[%add3A_1323, %and3A_89] : memref<448x8xf32, #tpu.memory_space<vmem>>[vector<16xi32>, vector<16xi32>], vector<16xf32>,
      %add3A_1325 = arith.constant 434 : i32
      %add3A_1326 = vector.broadcast %add3A_1325 : i32 to vector<16xi32>
      %add3A_1327 = arith.addi %add3A_1326, %shift_right_logical3A_87 : vector<16xi32>
      %gather3A_1328 = tpu.vector_load_idx %arg7[%add3A_1327, %and3A_89] : memref<448x8xf32, #tpu.memory_space<vmem>>[vector<16xi32>, vector<16xi32>], vector<16xf32>,
      %add3A_1329 = arith.constant 436 : i32
      %add3A_1330 = vector.broadcast %add3A_1329 : i32 to vector<16xi32>
      %add3A_1331 = arith.addi %add3A_1330, %shift_right_logical3A_87 : vector<16xi32>
      %gather3A_1332 = tpu.vector_load_idx %arg7[%add3A_1331, %and3A_89] : memref<448x8xf32, #tpu.memory_space<vmem>>[vector<16xi32>, vector<16xi32>], vector<16xf32>,
      %add3A_1333 = arith.constant 438 : i32
      %add3A_1334 = vector.broadcast %add3A_1333 : i32 to vector<16xi32>
      %add3A_1335 = arith.addi %add3A_1334, %shift_right_logical3A_87 : vector<16xi32>
      %gather3A_1336 = tpu.vector_load_idx %arg7[%add3A_1335, %and3A_89] : memref<448x8xf32, #tpu.memory_space<vmem>>[vector<16xi32>, vector<16xi32>], vector<16xf32>,
      %add3A_1337 = arith.constant 440 : i32
      %add3A_1338 = vector.broadcast %add3A_1337 : i32 to vector<16xi32>
      %add3A_1339 = arith.addi %add3A_1338, %shift_right_logical3A_87 : vector<16xi32>
      %gather3A_1340 = tpu.vector_load_idx %arg7[%add3A_1339, %and3A_89] : memref<448x8xf32, #tpu.memory_space<vmem>>[vector<16xi32>, vector<16xi32>], vector<16xf32>,
      %add3A_1341 = arith.addf %gather3A_1244, %gather3A_1248 : vector<16xf32>
      %add3A_1342 = arith.addf %gather3A_1252, %gather3A_1256 : vector<16xf32>
      %add3A_1343 = arith.addf %gather3A_1260, %gather3A_1264 : vector<16xf32>
      %add3A_1344 = arith.addf %gather3A_1268, %gather3A_1272 : vector<16xf32>
      %add3A_1345 = arith.addf %gather3A_1276, %gather3A_1280 : vector<16xf32>
      %add3A_1346 = arith.addf %gather3A_1284, %gather3A_1288 : vector<16xf32>
      %add3A_1347 = arith.addf %gather3A_1292, %gather3A_1296 : vector<16xf32>
      %add3A_1348 = arith.addf %gather3A_1300, %gather3A_1304 : vector<16xf32>
      %add3A_1349 = arith.addf %gather3A_1308, %gather3A_1312 : vector<16xf32>
      %add3A_1350 = arith.addf %gather3A_1316, %gather3A_1320 : vector<16xf32>
      %add3A_1351 = arith.addf %gather3A_1324, %gather3A_1328 : vector<16xf32>
      %add3A_1352 = arith.addf %gather3A_1332, %gather3A_1336 : vector<16xf32>
      %add3A_1353 = arith.addf %add3A_1341, %add3A_1342 : vector<16xf32>
      %add3A_1354 = arith.addf %add3A_1343, %add3A_1344 : vector<16xf32>
      %add3A_1355 = arith.addf %add3A_1345, %add3A_1346 : vector<16xf32>
      %add3A_1356 = arith.addf %add3A_1347, %add3A_1348 : vector<16xf32>
      %add3A_1357 = arith.addf %add3A_1349, %add3A_1350 : vector<16xf32>
      %add3A_1358 = arith.addf %add3A_1351, %add3A_1352 : vector<16xf32>
      %add3A_1359 = arith.addf %add3A_1353, %add3A_1354 : vector<16xf32>
      %add3A_1360 = arith.addf %add3A_1355, %add3A_1356 : vector<16xf32>
      %add3A_1361 = arith.addf %add3A_1357, %add3A_1358 : vector<16xf32>
      %add3A_1362 = arith.addf %add3A_1359, %add3A_1360 : vector<16xf32>
      %add3A_1363 = arith.addf %add3A_1361, %gather3A_1340 : vector<16xf32>
      %add3A_1364 = arith.addf %add3A_1362, %add3A_1363 : vector<16xf32>
      %lt3A_1365 = arith.constant 0 : i32
      %lt3A_1366 = vector.broadcast %lt3A_1365 : i32 to vector<16xi32>
      %lt3A_1367 = arith.cmpi slt, %and3A_95, %lt3A_1366 : vector<16xi32>
      %add3A_1368 = arith.constant 16 : i32
      %add3A_1369 = vector.broadcast %add3A_1368 : i32 to vector<16xi32>
      %add3A_1370 = arith.addi %and3A_95, %add3A_1369 : vector<16xi32>
      %select_n3A_1371 = arith.select %lt3A_1367, %add3A_1370, %and3A_95 : vector<16xi1>, vector<16xi32>
      %broadcast_in_dim3A_1372 = vector.shape_cast %select_n3A_1371 : vector<16xi32> to vector<16x1xi32>
      %gather3A_1373 = vector.shape_cast %broadcast_in_dim3A_1372 : vector<16x1xi32> to vector<16xi32>
      %gather3A_1374 = tpu.dynamic_gather %add3A_1364[%gather3A_1373] in [0] : vector<16xf32>, vector<16xi32> -> vector<16xf32>
      %add3A_1375 = arith.addf %add3A_1364, %gather3A_1374 : vector<16xf32>
      %get3A_1376 = arith.constant 0 : index
      %get3A_1377 = tpu.vector_load %arg9[%get3A_1376] {strides = array<i32>} : memref<16xf32, #tpu.memory_space<vmem>>, vector<16xf32>,
      %add3A_1378 = arith.addf %add3A_1375, %get3A_1377 : vector<16xf32>
      %swap3A_1379 = arith.index_cast %add3A_1230 : i32 to index
      %swap3A_1380 = arith.constant 0 : index
      %swap3A_1381 = tpu.vector_load %arg8[%swap3A_1379, %swap3A_1380] {strides = array<i32>} : memref<512x16xf32, #tpu.memory_space<vmem>>, vector<16xf32>,
      tpu.vector_store %arg8[%swap3A_1379, %swap3A_1380], %add3A_1378 {strides = array<i32>} : memref<512x16xf32, #tpu.memory_space<vmem>>, vector<16xf32>,
      %add3A_1382 = arith.constant 8 : i32
      %add3A_1383 = arith.addi %add3A_1230, %add3A_1382 : i32
      %lt3A_1384 = arith.constant 512 : i32
      %lt3A_1385 = arith.cmpi slt, %add3A_1383, %lt3A_1384 : i32
      %convert_element_type3A_1386 = arith.extui %lt3A_1385 : i1 to i32
      %cond3A_1387 = arith.constant 0 : i32
      %cond3A_1388 = arith.cmpi ne, %convert_element_type3A_1386, %cond3A_1387 : i32
      scf.if %cond3A_1388 {
        %add3A_1389 = arith.constant 8 : i32
        %add3A_1390 = arith.addi %add3A_1230, %add3A_1389 : i32
        %dma_start3A_1391 = arith.constant 392 : i32
        %dma_start3A_1392 = arith.constant 0 : i32
        %dma_start3A_1393 = tpu.memref_slice %arg7[%dma_start3A_1391, %dma_start3A_1392] : memref<448x8xf32, #tpu.memory_space<vmem>> -> memref<56x8xf32, #tpu.memory_space<vmem>>
        %dma_start3A_1394 = arith.constant 0 : i32
        %dma_start3A_1395 = tpu.memref_slice %arg6[%add3A_1390, %dma_start3A_1394] : memref<512x128xi32, #tpu.memory_space<vmem>> -> memref<1x56xi32, #tpu.memory_space<vmem>>
        %dma_start3A_1396 = tpu.memref_squeeze %dma_start3A_1395 : memref<1x56xi32, #tpu.memory_space<vmem>> -> memref<56xi32, #tpu.memory_space<vmem>>
        %dma_start3A_1397 = arith.constant 0 : i32
        %dma_start3A_1398 = arith.constant 0 : i32
        %dma_start3A_1399 = tpu.memref_slice %arg10[%dma_start3A_1397, %dma_start3A_1398] : memref<100000x8xf32, #tpu.memory_space<vmem_shared>> -> memref<100000x8xf32, #tpu.memory_space<vmem_shared>>
        tpu.enqueue_indirect_dma source(%dma_start3A_1399 : memref<100000x8xf32, #tpu.memory_space<vmem_shared>>) target(%dma_start3A_1393 : memref<56x8xf32, #tpu.memory_space<vmem>>) offsets(%dma_start3A_1396 : memref<56xi32, #tpu.memory_space<vmem>>) semaphore(%arg19 : memref<!tpu.dma_semaphore, #tpu.memory_space<semaphore_mem>>)
      } else {
      }
    }
    %scan3A_100 = arith.constant 64 : i32
    "tpu.region"() ({
      %run_scoped3A = tpu.sem_alloc : memref<!tpu.dma_semaphore, #tpu.memory_space<semaphore_mem>>
      %dma_start3A_101 = arith.constant 0 : i32
      %dma_start3A_102 = tpu.memref_slice %arg5[%mul3A_2, %dma_start3A_101] : memref<16384x16xf32, #tpu.memory_space<hbm>> -> memref<512x16xf32, #tpu.memory_space<hbm>>
      %dma_start3A_103 = arith.constant 0 : i32
      %dma_start3A_104 = tpu.memref_slice %arg5[%mul3A_2, %dma_start3A_103] : memref<16384x16xf32, #tpu.memory_space<hbm>> -> memref<512x16xf32, #tpu.memory_space<hbm>>
      tpu.enqueue_dma source(%arg8 : memref<512x16xf32, #tpu.memory_space<vmem>>) target(%dma_start3A_104 : memref<512x16xf32, #tpu.memory_space<hbm>>) target_semaphore(%run_scoped3A : memref<!tpu.dma_semaphore, #tpu.memory_space<semaphore_mem>>)
      %dma_wait3A = arith.constant 0 : i32
      %dma_wait3A_105 = tpu.memref_slice %arg5[%mul3A_2, %dma_wait3A] : memref<16384x16xf32, #tpu.memory_space<hbm>> -> memref<512x16xf32, #tpu.memory_space<hbm>>
      %dma_wait3A_106 = arith.constant 0 : i32
      %dma_wait3A_107 = tpu.memref_slice %arg5[%mul3A_2, %dma_wait3A_106] : memref<16384x16xf32, #tpu.memory_space<hbm>> -> memref<512x16xf32, #tpu.memory_space<hbm>>
      tpu.wait_dma2 semaphore(%run_scoped3A : memref<!tpu.dma_semaphore, #tpu.memory_space<semaphore_mem>>) src(%arg8 : memref<512x16xf32, #tpu.memory_space<vmem>>) dst(%dma_wait3A_107 : memref<512x16xf32, #tpu.memory_space<hbm>>)
      tpu.yield
    }) : () -> ()
    return
  }
}

module attributes {stable_mosaic.version = 14 : i64} {
  func.func @_proj_body(%arg0: i32, %arg1: memref<10000x64xf32, #tpu.memory_space<vmem>>, %arg2: memref<8x64xf32, #tpu.memory_space<vmem>>, %arg3: memref<1x625x128xf32, #tpu.memory_space<vmem>>) attributes {dimension_semantics = [#tpu.dimension_semantics<arbitrary>], iteration_bounds = array<i64: 10>, scalar_prefetch = 0 : i64, scratch_operands = 0 : i64, tpu.core_type = #tpu.core_type<tc>, window_params = [{transform_indices = @transform_0, window_bounds = array<i64: 10000, 64>}, {pipeline_mode = #tpu.pipeline_mode<synchronous>, transform_indices = @transform_1, window_bounds = array<i64: 8, 64>}, {transform_indices = @transform_2, window_bounds = array<i64: 1, 625, 128>}]} {
    %get3A = arith.constant 0 : index
    %get3A_0 = arith.constant 0 : index
    %get3A_1 = vector.load %arg1[%get3A, %get3A_0] : memref<10000x64xf32, #tpu.memory_space<vmem>>, vector<10000x64xf32>
    %get3A_2 = arith.constant 0 : index
    %get3A_3 = arith.constant 0 : index
    %get3A_4 = vector.load %arg2[%get3A_2, %get3A_3] : memref<8x64xf32, #tpu.memory_space<vmem>>, vector<8x64xf32>
    %dot_general3A = arith.constant dense<0.000000e+00> : vector<10000x8xf32>
    %dot_general3A_5 = tpu.matmul %get3A_1, %get3A_4, %dot_general3A {dimension_numbers = #tpu.dot_dimension_numbers<[1], [1], [0], [0], [0, 0, 1, 0], [], []>, transpose_lhs_hint = false} : vector<10000x64xf32>, vector<8x64xf32>, vector<10000x8xf32> -> vector<10000x8xf32>
    %reshape3A = vector.shape_cast %dot_general3A_5 : vector<10000x8xf32> to vector<625x16x8xf32>
    %slice3A = vector.extract_strided_slice %reshape3A {offsets = [0, 0, 0], sizes = [625, 1, 8], strides = [1, 1, 1]} : vector<625x16x8xf32> to vector<625x1x8xf32>
    %squeeze3A = vector.shape_cast %slice3A : vector<625x1x8xf32> to vector<625x8xf32>
    %slice3A_6 = vector.extract_strided_slice %reshape3A {offsets = [0, 1, 0], sizes = [625, 1, 8], strides = [1, 1, 1]} : vector<625x16x8xf32> to vector<625x1x8xf32>
    %squeeze3A_7 = vector.shape_cast %slice3A_6 : vector<625x1x8xf32> to vector<625x8xf32>
    %slice3A_8 = vector.extract_strided_slice %reshape3A {offsets = [0, 2, 0], sizes = [625, 1, 8], strides = [1, 1, 1]} : vector<625x16x8xf32> to vector<625x1x8xf32>
    %squeeze3A_9 = vector.shape_cast %slice3A_8 : vector<625x1x8xf32> to vector<625x8xf32>
    %slice3A_10 = vector.extract_strided_slice %reshape3A {offsets = [0, 3, 0], sizes = [625, 1, 8], strides = [1, 1, 1]} : vector<625x16x8xf32> to vector<625x1x8xf32>
    %squeeze3A_11 = vector.shape_cast %slice3A_10 : vector<625x1x8xf32> to vector<625x8xf32>
    %slice3A_12 = vector.extract_strided_slice %reshape3A {offsets = [0, 4, 0], sizes = [625, 1, 8], strides = [1, 1, 1]} : vector<625x16x8xf32> to vector<625x1x8xf32>
    %squeeze3A_13 = vector.shape_cast %slice3A_12 : vector<625x1x8xf32> to vector<625x8xf32>
    %slice3A_14 = vector.extract_strided_slice %reshape3A {offsets = [0, 5, 0], sizes = [625, 1, 8], strides = [1, 1, 1]} : vector<625x16x8xf32> to vector<625x1x8xf32>
    %squeeze3A_15 = vector.shape_cast %slice3A_14 : vector<625x1x8xf32> to vector<625x8xf32>
    %slice3A_16 = vector.extract_strided_slice %reshape3A {offsets = [0, 6, 0], sizes = [625, 1, 8], strides = [1, 1, 1]} : vector<625x16x8xf32> to vector<625x1x8xf32>
    %squeeze3A_17 = vector.shape_cast %slice3A_16 : vector<625x1x8xf32> to vector<625x8xf32>
    %slice3A_18 = vector.extract_strided_slice %reshape3A {offsets = [0, 7, 0], sizes = [625, 1, 8], strides = [1, 1, 1]} : vector<625x16x8xf32> to vector<625x1x8xf32>
    %squeeze3A_19 = vector.shape_cast %slice3A_18 : vector<625x1x8xf32> to vector<625x8xf32>
    %slice3A_20 = vector.extract_strided_slice %reshape3A {offsets = [0, 8, 0], sizes = [625, 1, 8], strides = [1, 1, 1]} : vector<625x16x8xf32> to vector<625x1x8xf32>
    %squeeze3A_21 = vector.shape_cast %slice3A_20 : vector<625x1x8xf32> to vector<625x8xf32>
    %slice3A_22 = vector.extract_strided_slice %reshape3A {offsets = [0, 9, 0], sizes = [625, 1, 8], strides = [1, 1, 1]} : vector<625x16x8xf32> to vector<625x1x8xf32>
    %squeeze3A_23 = vector.shape_cast %slice3A_22 : vector<625x1x8xf32> to vector<625x8xf32>
    %slice3A_24 = vector.extract_strided_slice %reshape3A {offsets = [0, 10, 0], sizes = [625, 1, 8], strides = [1, 1, 1]} : vector<625x16x8xf32> to vector<625x1x8xf32>
    %squeeze3A_25 = vector.shape_cast %slice3A_24 : vector<625x1x8xf32> to vector<625x8xf32>
    %slice3A_26 = vector.extract_strided_slice %reshape3A {offsets = [0, 11, 0], sizes = [625, 1, 8], strides = [1, 1, 1]} : vector<625x16x8xf32> to vector<625x1x8xf32>
    %squeeze3A_27 = vector.shape_cast %slice3A_26 : vector<625x1x8xf32> to vector<625x8xf32>
    %slice3A_28 = vector.extract_strided_slice %reshape3A {offsets = [0, 12, 0], sizes = [625, 1, 8], strides = [1, 1, 1]} : vector<625x16x8xf32> to vector<625x1x8xf32>
    %squeeze3A_29 = vector.shape_cast %slice3A_28 : vector<625x1x8xf32> to vector<625x8xf32>
    %slice3A_30 = vector.extract_strided_slice %reshape3A {offsets = [0, 13, 0], sizes = [625, 1, 8], strides = [1, 1, 1]} : vector<625x16x8xf32> to vector<625x1x8xf32>
    %squeeze3A_31 = vector.shape_cast %slice3A_30 : vector<625x1x8xf32> to vector<625x8xf32>
    %slice3A_32 = vector.extract_strided_slice %reshape3A {offsets = [0, 14, 0], sizes = [625, 1, 8], strides = [1, 1, 1]} : vector<625x16x8xf32> to vector<625x1x8xf32>
    %squeeze3A_33 = vector.shape_cast %slice3A_32 : vector<625x1x8xf32> to vector<625x8xf32>
    %slice3A_34 = vector.extract_strided_slice %reshape3A {offsets = [0, 15, 0], sizes = [625, 1, 8], strides = [1, 1, 1]} : vector<625x16x8xf32> to vector<625x1x8xf32>
    %squeeze3A_35 = vector.shape_cast %slice3A_34 : vector<625x1x8xf32> to vector<625x8xf32>
    %concatenate3A = tpu.concatenate %squeeze3A, %squeeze3A_7, %squeeze3A_9, %squeeze3A_11, %squeeze3A_13, %squeeze3A_15, %squeeze3A_17, %squeeze3A_19, %squeeze3A_21, %squeeze3A_23, %squeeze3A_25, %squeeze3A_27, %squeeze3A_29, %squeeze3A_31, %squeeze3A_33, %squeeze3A_35 in 1 : vector<625x8xf32>, vector<625x8xf32>, vector<625x8xf32>, vector<625x8xf32>, vector<625x8xf32>, vector<625x8xf32>, vector<625x8xf32>, vector<625x8xf32>, vector<625x8xf32>, vector<625x8xf32>, vector<625x8xf32>, vector<625x8xf32>, vector<625x8xf32>, vector<625x8xf32>, vector<625x8xf32>, vector<625x8xf32> -> vector<625x128xf32>
    %reshape3A_36 = vector.shape_cast %concatenate3A : vector<625x128xf32> to vector<1x625x128xf32>
    %swap3A = arith.constant 0 : index
    %swap3A_37 = arith.constant 0 : index
    %swap3A_38 = arith.constant 0 : index
    %swap3A_39 = vector.load %arg3[%swap3A, %swap3A_37, %swap3A_38] : memref<1x625x128xf32, #tpu.memory_space<vmem>>, vector<1x625x128xf32>
    tpu.vector_store %arg3[%swap3A, %swap3A_37, %swap3A_38], %reshape3A_36 {strides = array<i32>} : memref<1x625x128xf32, #tpu.memory_space<vmem>>, vector<1x625x128xf32>,
    return
  }
  func.func @transform_0(%arg0: i32) -> (i32, i32) {
    %c0_i32 = arith.constant 0 : i32
    %c0_i32_0 = arith.constant 0 : i32
    return %arg0, %c0_i32 : i32, i32
  }
  func.func @transform_1(%arg0: i32) -> (i32, i32) {
    %c0_i32 = arith.constant 0 : i32
    %c0_i32_0 = arith.constant 0 : i32
    %c0_i32_1 = arith.constant 0 : i32
    return %c0_i32, %c0_i32_0 : i32, i32
  }
  func.func @transform_2(%arg0: i32) -> (i32, i32, i32) {
    %c0_i32 = arith.constant 0 : i32
    %c0_i32_0 = arith.constant 0 : i32
    %c0_i32_1 = arith.constant 0 : i32
    return %arg0, %c0_i32, %c0_i32_0 : i32, i32, i32
  }
}

</mosaic_0001>

<sc_bundles>
// kernel: kernel.4.cloned.1.call-start
scs
__scs_entry_jumppad:
0x0: {  	(pc) =	sbr.rel $0x88, $3  }
0x1: {  	(tag) =	ssettag $0x0;
	lr =	simm.s32 $0x1  }
0x2: {  	[smem:$0x3F9D] =	sst lr;
	_ =	strace $0xD0000000  }
0x3: {  	_ = 	snop  }
0x4: {  	_ = 	snop  }
0x5: {  	_ = 	snop  }
0x6: {  	_ = 	snop  }
0x7: {  	_ = 	snop  }
__scs_overlays_trampoline_lowered:
0x8: {  	[smem:$0x3FAC] =	sst s0  }
0x9: {  	[smem:$0x3FAD] =	sst s1  }
0xa: {  	[smem:$0x3FAE] =	sst s2  }
0xb: {  	[smem:$0x3FAF] =	sst s3  }
0xc: {  	[smem:$0x3FB0] =	sst s4  }
0xd: {  	[smem:$0x3FB1] =	sst s5  }
0xe: {  	[smem:$0x3FB2] =	sst s6  }
0xf: {  	[smem:$0x3FB3] =	sst s7  }
0x10: {  	[smem:$0x3FB4] =	sst s8  }
0x11: {  	[smem:$0x3FB5] =	sst s9;
	s0 =	simm.s32 @!p0 $0x0  }
0x12: {  	s1 =	sld [smem:$0x3F9B];
	s0 =	simm.s32 @p0 $0x1  }
0x13: {  	[smem:$0x3FB6] =	sst s0;
	s0 =	simm.s32 @!p1 $0x0  }
0x14: {  	s2 =	sld [smem:$0x3F9A];
	s0 =	simm.s32 @p1 $0x1  }
0x15: {  	[smem:$0x3FB7] =	sst s0;
	s0 =	simm.s32 @!p2 $0x0  }
0x16: {  	s3 =	sld [smem:$0x3FDB];
	s0 =	simm.s32 @p2 $0x1  }
0x17: {  	s4 =	simm.s32 $0x1BF5;
	[smem:$0x3FB9] =	sst s0  }
0x18: {  	s0 =	sld [smem:$0x3F9C];
	_ =	swait.ge [sflag:s4], $0x0  }
0x19: {  	s7 =	sld [smem:$0x3F9D]  }
0x1a: {  	s8 =	sadd.s32 $0xFFFFE003, lr  }
0x1b: {  	s9 =	sadd.s32 $0xFFFFFEF7, lr;
	s5 =	simm.s32 $0xFFFFFFFF;
	p2 =	slt.u32 s8, $0xFFFFF086  }
0x1c: {  	p1 =	slt.u32 s9, $0xF7A;
	s5 =	simm.s32 @!p2 $0x0  }
0x1d: {  	s5 =	simm.s32 @p1 $0x1;
	p0 =	seq.s32 s7, s2  }
0x1e: {  	s7 =	smul.u32 @!p0 $0xF7A, s2;
	p2 =	seq.s32 @!p0 s5, $0x0  }
0x1f: {  	s9 =	smul.u32 $0xF7A, s1;
	s8 =	simm.s32 @!p0 $0x1BF5;
	p2 =	por !p2, p0  }
0x20: {  	[sflag:s8] =	ssyncset.s32 @!p0 $0xFFFFF086;
	s6 =	sadd.s32 @!p0 s3, s7;
	s7 =	simm.s32 @!p0 $0x108  }
0x21: {  	s3 =	sadd.s32 s3, s9;
	s6 =	sadd.s32 @!p0 $0x88, s6;
	s7 =	simm.s32 @p2 $0x1082  }
0x22: {  	[simem:s7], [sflag:s8] =	dma.local @!p0 [hbm:s6], $0xF7A  }
0x23: {  	s9 =	sor.u32 $0xD0000000, s2;
	s6 =	simm.s32 $0x108;
	_ =	swait.ge @!p0 [sflag:s8], $0x0  }
0x24: {  	s3 =	sadd.s32 $0x88, s3;
	s6 =	simm.s32 @!p1 $0x1082;
	[sflag:s4] =	ssyncset.s32 $0xFFFFF086  }
0x25: {  	[simem:s6], [sflag:s4] =	dma.local [hbm:s3], $0xF7A  }
0x26: {  	[smem:$0x3F9D] =	sst s1;
	(tag) =	ssettag s2;
	_ =	strace s9  }
0x27: {  	s1 =	sld [smem:$0x3FAD]  }
0x28: {  	s2 =	sld [smem:$0x3FAE]  }
0x29: {  	s4 =	sld [smem:$0x3FB0]  }
0x2a: {  	p0 =	seq.s32 s5, $0x0;
	s5 =	sld [smem:$0x3FB1]  }
0x2b: {  	s6 =	sld [smem:$0x3FB2]  }
0x2c: {  	s7 =	sld [smem:$0x3FB3]  }
0x2d: {  	s3 =	simm.s32 $0x108;
	s8 =	sld [smem:$0x3FB4]  }
0x2e: {  	s3 =	simm.s32 @!p0 $0x1082;
	s9 =	sld [smem:$0x3FB5]  }
0x2f: {  	lr =	sadd.s32 s0, s3;
	s0 =	sld [smem:$0x3FAC]  }
0x30: {  	s3 =	sld [smem:$0x3FAF]  }
0x31: {  	[smem:$0x3FB8] =	sst s10  }
0x32: {  	s10 =	sld [smem:$0x3FB6];
	_ =	sdelay $0x3  }
0x33: {  	p0 =	seq.s32 s10, $0x1;
	s10 =	sld [smem:$0x3FB8];
	_ =	sdelay $0x3  }
0x34: {  	[smem:$0x3FB8] =	sst s10  }
0x35: {  	s10 =	sld [smem:$0x3FB7];
	_ =	sdelay $0x3  }
0x36: {  	p1 =	seq.s32 s10, $0x1;
	s10 =	sld [smem:$0x3FB8];
	_ =	sdelay $0x3  }
0x37: {  	[smem:$0x3FB8] =	sst s10  }
0x38: {  	s10 =	sld [smem:$0x3FB9]  }
0x39: {  	_ = 	snop;
	(pc) =	sbr.ind lr, $3  }
0x3a: {  	_ = 	snop  }
0x3b: {  	_ = 	snop  }
0x3c: {  	p2 =	seq.s32 s10, $0x1;
	s10 =	sld [smem:$0x3FB8]  }
0x3d: {  	_ =	shalt  }
0x3e: {  	_ =	shalt  }
0x3f: {  	_ =	shalt  }
0x40: {  	_ =	shalt  }
0x41: {  	_ =	shalt  }
0x42: {  	_ =	shalt  }
0x43: {  	_ =	shalt  }
0x44: {  	_ =	shalt  }
0x45: {  	_ =	shalt  }
0x46: {  	_ =	shalt  }
0x47: {  	_ =	shalt  }
0x48: {  	_ =	shalt  }
0x49: {  	_ =	shalt  }
0x4a: {  	_ =	shalt  }
0x4b: {  	_ =	shalt  }
0x4c: {  	_ =	shalt  }
0x4d: {  	_ =	shalt  }
0x4e: {  	_ =	shalt  }
0x4f: {  	_ =	shalt  }
0x50: {  	_ =	shalt  }
0x51: {  	_ =	shalt  }
0x52: {  	_ =	shalt  }
0x53: {  	_ =	shalt  }
0x54: {  	_ =	shalt  }
0x55: {  	_ =	shalt  }
0x56: {  	_ =	shalt  }
0x57: {  	_ =	shalt  }
0x58: {  	_ =	shalt  }
0x59: {  	_ =	shalt  }
0x5a: {  	_ =	shalt  }
0x5b: {  	_ =	shalt  }
0x5c: {  	_ =	shalt  }
0x5d: {  	_ =	shalt  }
0x5e: {  	_ =	shalt  }
0x5f: {  	_ =	shalt  }
0x60: {  	_ =	shalt  }
0x61: {  	_ =	shalt  }
0x62: {  	_ =	shalt  }
0x63: {  	_ =	shalt  }
0x64: {  	_ =	shalt  }
0x65: {  	_ =	shalt  }
0x66: {  	_ =	shalt  }
0x67: {  	_ =	shalt  }
0x68: {  	_ =	shalt  }
0x69: {  	_ =	shalt  }
0x6a: {  	_ =	shalt  }
0x6b: {  	_ =	shalt  }
0x6c: {  	_ =	shalt  }
0x6d: {  	_ =	shalt  }
0x6e: {  	_ =	shalt  }
0x6f: {  	_ =	shalt  }
0x70: {  	_ =	shalt  }
0x71: {  	_ =	shalt  }
0x72: {  	_ =	shalt  }
0x73: {  	_ =	shalt  }
0x74: {  	_ =	shalt  }
0x75: {  	_ =	shalt  }
0x76: {  	_ =	shalt  }
0x77: {  	_ =	shalt  }
0x78: {  	_ =	shalt  }
0x79: {  	_ =	shalt  }
0x7a: {  	_ =	shalt  }
0x7b: {  	_ =	shalt  }
0x7c: {  	_ =	shalt  }
0x7d: {  	_ =	shalt  }
0x7e: {  	_ =	shalt  }
0x7f: {  	_ =	shalt  }
0x80: {  	_ =	shalt  }
0x81: {  	_ =	shalt  }
0x82: {  	_ =	shalt  }
0x83: {  	_ =	shalt  }
0x84: {  	_ =	shalt  }
0x85: {  	_ =	shalt  }
0x86: {  	_ =	shalt  }
0x87: {  	_ =	shalt  }
.Lfunc_end0:
.L_simem_size_0:
called_computation_lowered:
.L_overlay_start_0:
0x88: {  	s2 =	sld [smem:$0x3FD9]  }
0x89: {  	s3 =	sld [smem:$0x3FFE];
	_ =	sdelay $0x1  }
0x8a: {  	s1 =	srdreg.scid  }
0x8b: {  	s0 =	sand.u32 $0x1, s1  }
0x8c: {  	s17 =	sshll.u32 s0, $0xA;
	s2 =	sadd.s32 s3, s2  }
0x8d: {  	s2 =	sadd.s32 s2, s17  }
0x8e: {  	[smem:$0x3FC4] =	sst s2  }
0x8f: {  	_ = 	snop  }
0x90: {  	s2 =	sld [smem:$0x3FD0];
	(tm) =	ssettm $0x1  }
0x91: {  	s18 =	sld [smem:$0x3FFB];
	_ =	sdelay $0x3  }
0x92: {  	_ =	strace s18  }
0x93: {  	s3 =	sld [smem:$0x3FFC];
	_ =	sdelay $0x3  }
0x94: {  	_ =	strace s3  }
0x95: {  	s3 =	sld [smem:$0x3FFD];
	_ =	sdelay $0x3  }
0x96: {  	_ =	strace s3  }
0x97: {  	_ =	strace $0x8FFFFFFF  }
0x98: {  	s19 =	sld [smem:$0x3FDB];
	_ =	sdelay $0x1  }
0x99: {  	s4 =	simm.s32 $_scs_section_size  }
0x9a: {  	s5 =	simm.s32 $_size__tile_overlayer_lowered;
	s6 =	simm.s32 $_tile_overlayer_lowered  }
0x9b: {  	s22 =	simm.s32 $0x1BFF;
	s21 =	sshll.u32 s6, $0x1;
	s3 =	sadd.s32 s4, s19  }
0x9c: {  	s7 =	simm.s32 $0x0;
	s20 =	sshll.u32 s5, $0x1;
	s5 =	sadd.s32 s21, s3  }
0x9d: {  	[timem:s7], [sflag:s22] =	dma.local [hbm:s5], s20  }
0x9e: {  	_ =	swait.ge [sflag:s22], s20  }
0x9f: {  	s4 =	ssub.s32 $0x0, s20;
	[sflag:s22] =	ssyncset.done $0x0  }
0xa0: {  	[sflag:s22] =	ssyncadd.s32 s4;
	_ =	sdelay $0x1  }
0xa1: {  	s23 =	simm.s32 $0x1B8B  }
0xa2: {  	_ =	swait.ge [sflag:s23], $0x1  }
0xa3: {  	[sflag:s23] =	ssyncset.done $0x0  }
0xa4: {  	s25 =	simm.s32 $0x1B8E;
	s24 =	sld [smem:$0x3FFE];
	[sflag:s23] =	ssyncadd.s32 $0xFFFFFFFF  }
0xa5: {  	s26 =	simm.s32 $execute0_lowered;
	[smem:$0x3FD2] =	sst s25  }
0xa6: {  	s5 =	sshll.u32 s26, $0x1;
	_ =	strace $0x80000046;
	[dreg:$0x1] =	wrdreg $0xFFFFFFFF  }
0xa7: {  	s28 =	simm.s32 $_size_execute0_lowered;
	s3 =	sadd.s32 s3, s5;
	[dreg:$0x0] =	wrdreg $0x0  }
0xa8: {  	s5 =	sshll.u32 s28, $0x1;
	[dreg:$0x2] =	wrdreg s3  }
0xa9: {  	[dreg:$0x3] =	wrdreg s5  }
0xaa: {  	[dreg:$0x4] =	wrdreg $0xC0  }
0xab: {  	_ =	task [dreg:s7], $0x5FFFF  }
0xac: {  	[dreg:$0x1] =	wrdreg $0xFFFFFFFF  }
0xad: {  	[dreg:$0x0] =	wrdreg $0x60  }
0xae: {  	[dreg:$0x2] =	wrdreg s24  }
0xaf: {  	[dreg:$0x3] =	wrdreg s2  }
0xb0: {  	[dreg:$0x4] =	wrdreg $0x12E100  }
0xb1: {  	[dreg:$0x5] =	wrdreg $0x9  }
0xb2: {  	_ =	task.clear_ibuf [dreg:s7], $0x6FFFF;
	_ =	strace $0x90000046  }
0xb3: {  	s29 =	simm.s32 $0x9;
	_ =	strace $0x80000048  }
0xb4: {  	_ =	swait.ge [sflag:s29], $0x1  }
0xb5: {  	[sflag:s29] =	ssyncadd.s32 $0xFFFFFFFF  }
0xb6: {  	_ =	strace $0x90000048  }
0xb7: {  	_ =	sfence  }
0xb8: {  	s30 =	sld [smem:$0x0];
	_ =	sdelay $0x2  }
0xb9: {  	s31 =	sshll.u32 s1, $0xD;
	s1 =	sshrl.u32 s1, $0x2  }
0xba: {  	s3 =	sand.u32 $0x4000, s31;
	s1 =	sadd.s32 s1, s30  }
0xbb: {  	s0 =	sor.u32 s3, s0;
	s1 =	sshll.u32 s1, $0x11  }
0xbc: {  	s0 =	sor.u32 s1, s0  }
0xbd: {  	s0 =	sadd.s32 $0x8F2B, s0  }
0xbe: {  	[sflag:s0] =	ssyncadd.remote.s32 $0x1  }
0xbf: {  	_ =	sfence.sel $0xFFFF  }
0xc0: {  	[dreg:$0x0] =	wrdreg $0xFFFFFFFF;
	(pc) =	sbr.abs _section_cstart, $3  }
0xc1: {  	[dreg:$0x1] =	wrdreg $0xFFFFFFFF  }
0xc2: {  	_ =	task.clear_ibuf [dreg:s7], $0x2FFFF;
	_ =	strace $0x9FFFFFFF  }
0xc3: {  	(tm) =	ssettm $0x7FFFFFFF  }
tec
execute0_lowered:
.L_overlay_start_1:
0x0: {  	(tag) =	ssettag $0x1  }
0x1: {  	v0 =	vlaneseq.u32  }
0x2: {  	v1 =	vor.u32 $0x10, v0  }
0x3: {  	[tilespmem:$0x1FE80] =	vst v1;
	v1 =	vor.u32 $0x20, v0  }
0x4: {  	v17 =	vimm.s32 $0xFEDCBA98;
	[tilespmem:$0x1FE90] =	vst v1;
	v1 =	vor.u32 $0x30, v0  }
0x5: {  	v19 =	vimm.s32 $0x76543210;
	v21 =	vunpack.c.l.s4.s8 v17;
	[tilespmem:$0x1FEA0] =	vst v1;
	v1 =	vor.u32 $0x40, v0  }
0x6: {  	v23 =	vunpack.c.l.s4.s8 v19;
	v27 =	vor.u32 $0x1D0, v0;
	[tilespmem:$0x1FEB0] =	vst v1;
	v1 =	vor.u32 $0x50, v0  }
0x7: {  	v28 =	vor.u32 $0x1E0, v0;
	v29 =	vor.u32 $0x1F0, v0;
	[tilespmem:$0x1FEC0] =	vst v1;
	v1 =	vor.u32 $0x60, v0  }
0x8: {  	v30 =	vor.u32 $0x200, v0;
	v31 =	vor.u32 $0x210, v0;
	[tilespmem:$0x1FED0] =	vst v1;
	v1 =	vor.u32 $0x70, v0  }
0x9: {  	v32 =	vor.u32 $0x220, v0;
	v33 =	vor.u32 $0x230, v0;
	[tilespmem:$0x1FEE0] =	vst v1;
	v1 =	vor.u32 $0x80, v0  }
0xa: {  	v34 =	vor.u32 $0x240, v0;
	v35 =	vor.u32 $0x250, v0;
	[tilespmem:$0x1FEF0] =	vst v1;
	v1 =	vor.u32 $0x90, v0  }
0xb: {  	s0 =	rddreg [dreg:$0x0];
	s1 =	srdreg.scid;
	v36 =	vor.u32 $0x260, v0;
	v37 =	vor.u32 $0x270, v0;
	[tilespmem:$0x1FF00] =	vst v1;
	v1 =	vor.u32 $0xA0, v0  }
0xc: {  	s9 =	stileid.u32;
	s3 =	rddreg [dreg:$0x2];
	s11 =	simm.s32 $0x9;
	v38 =	vor.u32 $0x280, v0;
	v39 =	vor.u32 $0x290, v0;
	[tilespmem:$0x1FF10] =	vst v1;
	v1 =	vor.u32 $0xB0, v0  }
0xd: {  	s4 =	simm.s32 $0x0;
	s13 =	simm.s32 $0x38;
	s14 =	simm.s32 $0x10000;
	v40 =	vor.u32 $0x2A0, v0;
	v41 =	vor.u32 $0x2B0, v0;
	[tilespmem:$0x1FF20] =	vst v1;
	v1 =	vor.u32 $0xC0, v0  }
0xe: {  	s28 =	simm.s32 $0x380;
	s29 =	simm.s32 $0x10C40;
	s30 =	simm.s32 $0x1;
	v42 =	vor.u32 $0x2C0, v0;
	v43 =	vor.u32 $0x2D0, v0;
	[tilespmem:$0x1FF30] =	vst v1;
	v1 =	vor.u32 $0xD0, v0  }
0xf: {  	s31 =	simm.s32 $0x2;
	s12 =	simm.s32 $0x6;
	s15 =	simm.s32 $0x7;
	v44 =	vor.u32 $0x2E0, v0;
	v45 =	vor.u32 $0x2F0, v0;
	[tilespmem:$0x1FF40] =	vst v1;
	v1 =	vor.u32 $0xE0, v0  }
0x10: {  	s16 =	simm.s32 $0x8;
	s17 =	simm.s32 $0x10E00;
	s18 =	simm.s32 $0x0;
	v46 =	vor.u32 $0x300, v0;
	v47 =	vor.u32 $0x310, v0;
	[tilespmem:$0x1FF50] =	vst v1;
	v1 =	vor.u32 $0xF0, v0  }
0x11: {  	s1 =	sand.u32 $0x1, s1;
	s2 =	sshll.u32 s9, $0xA;
	s6 =	smul.u32 $0xC350, s9;
	v48 =	vor.u32 $0x320, v0;
	v49 =	vor.u32 $0x330, v0;
	[tilespmem:$0x1FF60] =	vst v1;
	v1 =	vor.u32 $0x100, v0  }
0x12: {  	[smem:$0x7FF] =	sst s4;
	s26 =	sshll.u32 s9, $0x6;
	v50 =	vor.u32 $0x340, v0;
	v51 =	vor.u32 $0x380, v0;
	s5 =	sshll.u32 s1, $0x9;
	[tilespmem:$0x1FF70] =	vst v1;
	v1 =	vor.u32 $0x110, v0  }
0x13: {  	v52 =	vor.u32 $0x390, v0;
	v53 =	vor.u32 $0x3A0, v0;
	s1 =	ssub.s32 $0x2, s1;
	s2 =	sor.u32 s5, s2;
	s24 =	sshrl.u32 s6, $0x3;
	[tilespmem:$0x1FF80] =	vst v1;
	v1 =	vor.u32 $0x120, v0  }
0x14: {  	v54 =	vor.u32 $0x3B0, v0;
	v55 =	vor.u32 $0x3C0, v0;
	s8 =	sshrl.u32 s1, $0x1;
	s25 =	sadd.s32 s6, s3;
	s6 =	sor.u32 $0x1C09, s26;
	[tilespmem:$0x1FF90] =	vst v1;
	v1 =	vor.u32 $0x130, v0  }
0x15: {  	v56 =	vor.u32 $0x3D0, v0;
	v57 =	vor.u32 $0x3E0, v0;
	s26 =	simm.s32 $0x10A80;
	s5 =	sshll.u32 s2, $0x4;
	s2 =	sshll.u32 s2, $0x1;
	[tilespmem:$0x1FFA0] =	vst v1;
	v1 =	vor.u32 $0x140, v0  }
.Ltmp0:
0x16: {  	v58 =	vor.u32 $0x3F0, v0;
	v59 =	vor.u32 $0x400, v0;
	s1 =	ssub.s32 s1, s8;
	s10 =	sshrl.u32 s25, $0x3;
	[tilespmem:$0x1FFB0] =	vst v1;
	v1 =	vor.u32 $0x150, v0;
	(pc) =	sbr.rel .LBB2_1-.Ltmp0, $4  }
0x17: {  	v60 =	vor.u32 $0x410, v0;
	v25 =	vunpack.c.0.s8.s32 v21;
	s25 =	simm.s32 $0x300;
	s7 =	sadd.s32 s5, s0;
	_ =	strace $0x80000047;
	[tilespmem:$0x1FFC0] =	vst v1;
	v1 =	vor.u32 $0x160, v0  }
0x18: {  	v61 =	vor.u32 $0x420, v0;
	v26 =	vunpack.c.0.s8.s32 v23;
	s5 =	sadd.s32 s24, s0;
	s0 =	sadd.s32 s2, s0;
	s9 =	smax.u32 s1, $0x1;
	[tilespmem:$0x1FFD0] =	vst v1;
	v1 =	vor.u32 $0x170, v0  }
0x19: {  	v62 =	vor.u32 $0x430, v0;
	v25 =	vand.u32 $0xF, v25;
	s2 =	simm.s32 $0x3;
	s1 =	simm.s32 $0x5;
	s5 =	sadd.s32 $0xA00, s5;
	[tilespmem:$0x1FFE0] =	vst v1;
	v1 =	vor.u32 $0x180, v0  }
0x1a: {  	v63 =	vor.u32 $0x440, v0;
	v25 =	vcombine.low v25, v26;
	v26 =	vor.u32 $0x1C0, v0;
	s7 =	sadd.s32 $0x19200, s7;
	s8 =	sadd.s32 $0x59200, s0;
	s0 =	simm.s32 $0x4;
	[tilespmem:$0x1FFF0] =	vst v1  }
.LBB2_4:
0x1b: {  	s18 =	sadd.s32 $0x1, s18  }
0x1c: {  	p0 =	sne.s32 s18, s9  }
.Ltmp1:
0x1d: {  	_ = 	snop;
	(pc) =	sbr.rel @!p0 .LBB2_5-.Ltmp1, $4  }
0x1e: {  	[hbm4b:s8+s4] =	stream.linear.scatter [tilespmem:s17], [sflag:$0x9], $0x2000, $0x38;
	[tilespmem:$0x1F160] =	vst v63  }
0x1f: {  	_ =	swait.ge [sflag:s11], $0x2000  }
0x20: {  	[sflag:s11] =	ssyncset.done $0x0  }
0x21: {  	[sflag:s11] =	ssyncadd.s32 $0xFFFFE000  }
.LBB2_1:
0x22: {  	[spmem:s10], [sflag:s6] =	dma.local [hbm:s5], $0x186A  }
0x23: {  	_ =	swait.ge [sflag:s11], $0x186A  }
0x24: {  	[sflag:s11] =	ssyncset.done $0x0  }
0x25: {  	[sflag:s11] =	ssyncadd.s32 $0xFFFFE796  }
0x26: {  	s20 =	simm.s32 $0x12E00;
	s19 =	rddreg [dreg:$0x1]  }
0x27: {  	[tilespmem:s20], [sflag:$0x9] =	stream.linear.gather [hbm4b:s19+s4], $0x10, $0x38;
	[tilespmem:$0x1F160] =	vst v63  }
0x28: {  	_ =	swait.ge [sflag:s11], $0x10  }
0x29: {  	[sflag:s11] =	ssyncset.done $0x0  }
0x2a: {  	[sflag:s11] =	ssyncadd.s32 $0xFFFFFFF0  }
0x2b: {  	[tilespmem:s4], [sflag:$0x9] =	stream.linear.gather [hbm4b:s7+s4], $0x10000, $0x38;
	[tilespmem:$0x1F160] =	vst v63  }
0x2c: {  	_ =	swait.ge [sflag:s11], $0x10000  }
0x2d: {  	[sflag:s11] =	ssyncset.done $0x0  }
0x2e: {  	[sflag:s11] =	ssyncadd.s32 $0xFFFF0000  }
0x2f: {  	[bflag:$0x0] =	sbarrier.arrive $0xFFFF  }
0x30: {  	[tilespmem:s14], [sflag:$0x1] =	stream.indirect.gather [spmem:s3], $0x8, s4, s13, $0xb8;
	[tilespmem:$0x1F160] =	vst v63  }
0x31: {  	s23 =	simm.s32 $0x80;
	s24 =	simm.s32 $0x101C0  }
0x32: {  	[tilespmem:s24], [sflag:$0x2] =	stream.indirect.gather [spmem:s3], $0x8, s23, s13, $0xb8;
	[tilespmem:$0x1F160] =	vst v63  }
0x33: {  	s21 =	simm.s32 $0x100;
	s22 =	simm.s32 $0x10380  }
0x34: {  	[tilespmem:s22], [sflag:$0x3] =	stream.indirect.gather [spmem:s3], $0x8, s21, s13, $0xb8;
	[tilespmem:$0x1F160] =	vst v63  }
0x35: {  	s23 =	simm.s32 $0x180;
	s24 =	simm.s32 $0x10540  }
0x36: {  	[tilespmem:s24], [sflag:$0x4] =	stream.indirect.gather [spmem:s3], $0x8, s23, s13, $0xb8;
	[tilespmem:$0x1F160] =	vst v63  }
0x37: {  	s21 =	simm.s32 $0x200;
	s22 =	simm.s32 $0x10700  }
0x38: {  	[tilespmem:s22], [sflag:$0x5] =	stream.indirect.gather [spmem:s3], $0x8, s21, s13, $0xb8;
	[tilespmem:$0x1F160] =	vst v63  }
0x39: {  	s23 =	simm.s32 $0x280;
	s24 =	simm.s32 $0x108C0  }
0x3a: {  	[tilespmem:s24], [sflag:$0x6] =	stream.indirect.gather [spmem:s3], $0x8, s23, s13, $0xb8;
	[tilespmem:$0x1F160] =	vst v63  }
0x3b: {  	_ = 	snop  }
0x3c: {  	[tilespmem:s26], [sflag:$0x7] =	stream.indirect.gather [spmem:s3], $0x8, s25, s13, $0xb8;
	[tilespmem:$0x1F160] =	vst v63  }
0x3d: {  	s19 =	simm.s32 $0x10E40;
	s20 =	simm.s32 $0x0  }
0x3e: {  	[tilespmem:s29], [sflag:$0x8] =	stream.indirect.gather [spmem:s3], $0x8, s28, s13, $0xb8;
	[tilespmem:$0x1F160] =	vst v63  }
.LBB2_2:
0x3f: {  	_ =	swait.ge [sflag:s30], $0x1C0  }
0x40: {  	v2 =	vld [tilespmem:$0x1FE80]  }
0x41: {  	v3 =	vld [tilespmem:$0x1FE90]  }
0x42: {  	v4 =	vld [tilespmem:$0x1FEA0]  }
0x43: {  	v5 =	vld [tilespmem:$0x1FEB0]  }
0x44: {  	v6 =	vld [tilespmem:$0x1FEC0]  }
0x45: {  	v7 =	vld [tilespmem:$0x1FED0]  }
0x46: {  	v8 =	vld [tilespmem:$0x1FEE0]  }
0x47: {  	v9 =	vld [tilespmem:$0x1FEF0]  }
0x48: {  	v10 =	vld [tilespmem:$0x1FF00]  }
0x49: {  	v11 =	vld [tilespmem:$0x1FF10]  }
0x4a: {  	v12 =	vld [tilespmem:$0x1FF20]  }
0x4b: {  	v13 =	vld [tilespmem:$0x1FF30]  }
0x4c: {  	v14 =	vld [tilespmem:$0x1FF40]  }
0x4d: {  	v15 =	vld [tilespmem:$0x1FF50]  }
0x4e: {  	v16 =	vld [tilespmem:$0x1FF60]  }
0x4f: {  	v17 =	vld [tilespmem:$0x1FF70]  }
0x50: {  	v18 =	vld [tilespmem:$0x1FF80]  }
0x51: {  	v19 =	vld [tilespmem:$0x1FF90]  }
0x52: {  	v20 =	vld [tilespmem:$0x1FFA0]  }
0x53: {  	v21 =	vld [tilespmem:$0x1FFB0]  }
0x54: {  	v22 =	vld [tilespmem:$0x1FFC0]  }
0x55: {  	[sflag:s30] =	ssyncset.done $0x0;
	v23 =	vld [tilespmem:$0x1FFD0]  }
0x56: {  	v24 =	vld [tilespmem:$0x1FFE0];
	[sflag:s30] =	ssyncadd.s32 $0xFFFFFE40  }
0x57: {  	v1 =	vld.idx.msk [tilespmem:v0+s14+$0x0], $0xffff  }
0x58: {  	v2 =	vld.idx.msk [tilespmem:v2+s14+$0x0], $0xffff  }
0x59: {  	v3 =	vld.idx.msk [tilespmem:v3+s14+$0x0], $0xffff  }
0x5a: {  	v4 =	vld.idx.msk [tilespmem:v4+s14+$0x0], $0xffff  }
0x5b: {  	v5 =	vld.idx.msk [tilespmem:v5+s14+$0x0], $0xffff  }
0x5c: {  	v6 =	vld.idx.msk [tilespmem:v6+s14+$0x0], $0xffff  }
0x5d: {  	v7 =	vld.idx.msk [tilespmem:v7+s14+$0x0], $0xffff  }
0x5e: {  	v8 =	vld.idx.msk [tilespmem:v8+s14+$0x0], $0xffff  }
0x5f: {  	v9 =	vld.idx.msk [tilespmem:v9+s14+$0x0], $0xffff  }
0x60: {  	v10 =	vld.idx.msk [tilespmem:v10+s14+$0x0], $0xffff  }
0x61: {  	v11 =	vld.idx.msk [tilespmem:v11+s14+$0x0], $0xffff  }
0x62: {  	v12 =	vld.idx.msk [tilespmem:v12+s14+$0x0], $0xffff  }
0x63: {  	v13 =	vld.idx.msk [tilespmem:v13+s14+$0x0], $0xffff  }
0x64: {  	v14 =	vld.idx.msk [tilespmem:v14+s14+$0x0], $0xffff  }
0x65: {  	v15 =	vld.idx.msk [tilespmem:v15+s14+$0x0], $0xffff  }
0x66: {  	v16 =	vld.idx.msk [tilespmem:v16+s14+$0x0], $0xffff  }
0x67: {  	v17 =	vld.idx.msk [tilespmem:v17+s14+$0x0], $0xffff  }
0x68: {  	v18 =	vld.idx.msk [tilespmem:v18+s14+$0x0], $0xffff  }
0x69: {  	v19 =	vld.idx.msk [tilespmem:v19+s14+$0x0], $0xffff  }
0x6a: {  	v20 =	vld.idx.msk [tilespmem:v20+s14+$0x0], $0xffff;
	v1 =	vadd.f32 v2, v1;
	v2 =	vadd.f32 v4, v3  }
0x6b: {  	v21 =	vld.idx.msk [tilespmem:v21+s14+$0x0], $0xffff;
	v3 =	vadd.f32 v6, v5;
	v4 =	vadd.f32 v8, v7  }
0x6c: {  	v22 =	vld.idx.msk [tilespmem:v22+s14+$0x0], $0xffff  }
0x6d: {  	v1 =	vadd.f32 v2, v1;
	v2 =	vadd.f32 v4, v3;
	v3 =	vld [tilespmem:$0x1FFF0]  }
0x6e: {  	v23 =	vld.idx.msk [tilespmem:v23+s14+$0x0], $0xffff  }
0x6f: {  	v24 =	vld.idx.msk [tilespmem:v24+s14+$0x0], $0xffff;
	_ =	sdelay $0x1  }
0x70: {  	v5 =	vadd.f32 v10, v9;
	v6 =	vadd.f32 v12, v11  }
0x71: {  	v7 =	vadd.f32 v14, v13;
	v16 =	vadd.f32 v16, v15  }
0x72: {  	v18 =	vadd.f32 v18, v17;
	v20 =	vadd.f32 v20, v19  }
0x73: {  	v22 =	vadd.f32 v22, v21;
	v23 =	vadd.f32 v24, v23  }
0x74: {  	v15 =	vadd.f32 v6, v5;
	v16 =	vadd.f32 v16, v7;
	v3 =	vld.idx.msk [tilespmem:v3+s14+$0x0], $0xffff  }
0x75: {  	v17 =	vadd.f32 v20, v18;
	v18 =	vadd.f32 v23, v22  }
0x76: {  	v1 =	vadd.f32 v2, v1  }
0x77: {  	v2 =	vadd.f32 v16, v15;
	v19 =	vadd.f32 v18, v17;
	_ =	sdelay $0x1  }
0x78: {  	v1 =	vadd.f32 v2, v1;
	v2 =	vadd.f32 v19, v3;
	_ =	sdelay $0x1  }
0x79: {  	v1 =	vadd.f32 v2, v1  }
0x7a: {  	v2 =	vld [tilespmem:$0x12E00]  }
0x7b: {  	v3 =	vperm.xlane v1, v25;
	_ =	sdelay $0x1  }
0x7c: {  	v1 =	vadd.f32 v1, v3;
	_ =	sdelay $0x1  }
0x7d: {  	p0 =	seq.s32 s20, $0x3F000;
	v1 =	vadd.f32 v1, v2  }
0x7e: {  	s21 =	sshra.s32 @!p0 s20, $0x2  }
0x7f: {  	s22 =	simm.s32 @!p0 $0x38;
	s24 =	simm.s32 @!p0 $0x10000;
	s23 =	sadd.s32 @!p0 $0x400, s21;
	[tilespmem:s19+$0xFFFFFFC0] =	vst v1  }
0x80: {  	[tilespmem:s24], [sflag:$0x1] =	stream.indirect.gather @!p0 [spmem:s3], $0x8, s23, s22, $0xb8;
	[tilespmem:$0x1F160] =	vst v63  }
0x81: {  	_ =	swait.ge [sflag:s31], $0x1C0  }
0x82: {  	[sflag:s31] =	ssyncset.done $0x0  }
0x83: {  	[sflag:s31] =	ssyncadd.s32 $0xFFFFFE40  }
0x84: {  	v1 =	vld.idx.msk [tilespmem:v26+s14+$0x0], $0xffff  }
0x85: {  	v2 =	vld.idx.msk [tilespmem:v27+s14+$0x0], $0xffff  }
0x86: {  	v3 =	vld.idx.msk [tilespmem:v28+s14+$0x0], $0xffff  }
0x87: {  	v4 =	vld.idx.msk [tilespmem:v29+s14+$0x0], $0xffff  }
0x88: {  	v5 =	vld.idx.msk [tilespmem:v30+s14+$0x0], $0xffff  }
0x89: {  	v6 =	vld.idx.msk [tilespmem:v31+s14+$0x0], $0xffff  }
0x8a: {  	v7 =	vld.idx.msk [tilespmem:v32+s14+$0x0], $0xffff  }
0x8b: {  	v8 =	vld.idx.msk [tilespmem:v33+s14+$0x0], $0xffff  }
0x8c: {  	v9 =	vld.idx.msk [tilespmem:v34+s14+$0x0], $0xffff  }
0x8d: {  	v10 =	vld.idx.msk [tilespmem:v35+s14+$0x0], $0xffff  }
0x8e: {  	v11 =	vld.idx.msk [tilespmem:v36+s14+$0x0], $0xffff  }
0x8f: {  	v12 =	vld.idx.msk [tilespmem:v37+s14+$0x0], $0xffff  }
0x90: {  	v13 =	vld.idx.msk [tilespmem:v38+s14+$0x0], $0xffff  }
0x91: {  	v14 =	vld.idx.msk [tilespmem:v39+s14+$0x0], $0xffff  }
0x92: {  	v15 =	vld.idx.msk [tilespmem:v40+s14+$0x0], $0xffff  }
0x93: {  	v16 =	vld.idx.msk [tilespmem:v41+s14+$0x0], $0xffff  }
0x94: {  	v17 =	vld.idx.msk [tilespmem:v42+s14+$0x0], $0xffff  }
0x95: {  	v18 =	vld.idx.msk [tilespmem:v43+s14+$0x0], $0xffff  }
0x96: {  	v19 =	vld.idx.msk [tilespmem:v44+s14+$0x0], $0xffff  }
0x97: {  	v20 =	vld.idx.msk [tilespmem:v45+s14+$0x0], $0xffff  }
0x98: {  	v21 =	vld.idx.msk [tilespmem:v46+s14+$0x0], $0xffff  }
0x99: {  	v22 =	vld.idx.msk [tilespmem:v47+s14+$0x0], $0xffff  }
0x9a: {  	v23 =	vld.idx.msk [tilespmem:v48+s14+$0x0], $0xffff  }
0x9b: {  	v24 =	vld.idx.msk [tilespmem:v49+s14+$0x0], $0xffff;
	v1 =	vadd.f32 v2, v1;
	v2 =	vadd.f32 v4, v3  }
0x9c: {  	v3 =	vadd.f32 v6, v5;
	v4 =	vadd.f32 v8, v7  }
0x9d: {  	v5 =	vadd.f32 v10, v9;
	v6 =	vadd.f32 v12, v11  }
0x9e: {  	v7 =	vadd.f32 v14, v13;
	v8 =	vadd.f32 v16, v15  }
0x9f: {  	v9 =	vadd.f32 v18, v17;
	v20 =	vadd.f32 v20, v19  }
0xa0: {  	v22 =	vadd.f32 v22, v21;
	v16 =	vadd.f32 v24, v23  }
0xa1: {  	v1 =	vadd.f32 v2, v1;
	v2 =	vadd.f32 v4, v3  }
0xa2: {  	v3 =	vld.idx.msk [tilespmem:v50+s14+$0x0], $0xffff;
	v17 =	vadd.f32 v6, v5;
	v18 =	vadd.f32 v8, v7  }
0xa3: {  	v19 =	vadd.f32 v20, v9;
	v20 =	vadd.f32 v16, v22  }
0xa4: {  	v1 =	vadd.f32 v2, v1  }
0xa5: {  	v2 =	vadd.f32 v18, v17;
	v21 =	vadd.f32 v20, v19;
	_ =	sdelay $0x1  }
0xa6: {  	v1 =	vadd.f32 v2, v1;
	v2 =	vadd.f32 v21, v3;
	_ =	sdelay $0x1  }
0xa7: {  	v1 =	vadd.f32 v2, v1  }
0xa8: {  	v2 =	vld [tilespmem:$0x12E00]  }
0xa9: {  	v3 =	vperm.xlane v1, v25;
	_ =	sdelay $0x1  }
0xaa: {  	v1 =	vadd.f32 v1, v3;
	_ =	sdelay $0x1  }
0xab: {  	v1 =	vadd.f32 v1, v2;
	_ =	sdelay $0x1  }
0xac: {  	s23 =	sadd.s32 @!p0 $0x480, s21;
	s24 =	simm.s32 @!p0 $0x101C0;
	[tilespmem:s19+$0xFFFFFFD0] =	vst v1  }
0xad: {  	[tilespmem:s24], [sflag:$0x2] =	stream.indirect.gather @!p0 [spmem:s3], $0x8, s23, s22, $0xb8;
	[tilespmem:$0x1F160] =	vst v63  }
0xae: {  	_ =	swait.ge [sflag:s2], $0x1C0  }
0xaf: {  	[sflag:s2] =	ssyncset.done $0x0  }
0xb0: {  	[sflag:s2] =	ssyncadd.s32 $0xFFFFFE40  }
0xb1: {  	v1 =	vld.idx.msk [tilespmem:v51+s14+$0x0], $0xffff  }
0xb2: {  	v2 =	vld.idx.msk [tilespmem:v52+s14+$0x0], $0xffff  }
0xb3: {  	v3 =	vld.idx.msk [tilespmem:v53+s14+$0x0], $0xffff  }
0xb4: {  	v4 =	vld.idx.msk [tilespmem:v54+s14+$0x0], $0xffff  }
0xb5: {  	v5 =	vld.idx.msk [tilespmem:v55+s14+$0x0], $0xffff  }
0xb6: {  	v6 =	vld.idx.msk [tilespmem:v56+s14+$0x0], $0xffff  }
0xb7: {  	v7 =	vld.idx.msk [tilespmem:v57+s14+$0x0], $0xffff  }
0xb8: {  	v8 =	vld.idx.msk [tilespmem:v58+s14+$0x0], $0xffff  }
0xb9: {  	v22 =	vor.u32 $0x450, v0;
	v9 =	vld.idx.msk [tilespmem:v59+s14+$0x0], $0xffff  }
0xba: {  	v23 =	vor.u32 $0x460, v0;
	v11 =	vld.idx.msk [tilespmem:v60+s14+$0x0], $0xffff  }
0xbb: {  	v14 =	vor.u32 $0x470, v0;
	v13 =	vld.idx.msk [tilespmem:v61+s14+$0x0], $0xffff  }
0xbc: {  	v16 =	vor.u32 $0x480, v0;
	v15 =	vld.idx.msk [tilespmem:v62+s14+$0x0], $0xffff  }
0xbd: {  	v18 =	vor.u32 $0x490, v0;
	v17 =	vld.idx.msk [tilespmem:v63+s14+$0x0], $0xffff  }
0xbe: {  	v19 =	vor.u32 $0x4A0, v0;
	v10 =	vld.idx.msk [tilespmem:v22+s14+$0x0], $0xffff  }
0xbf: {  	v20 =	vor.u32 $0x4B0, v0;
	v12 =	vld.idx.msk [tilespmem:v23+s14+$0x0], $0xffff  }
0xc0: {  	v21 =	vor.u32 $0x4C0, v0;
	v14 =	vld.idx.msk [tilespmem:v14+s14+$0x0], $0xffff  }
0xc1: {  	v24 =	vor.u32 $0x4F0, v0;
	v16 =	vld.idx.msk [tilespmem:v16+s14+$0x0], $0xffff  }
0xc2: {  	v22 =	vor.u32 $0x4D0, v0;
	v18 =	vld.idx.msk [tilespmem:v18+s14+$0x0], $0xffff  }
0xc3: {  	v23 =	vor.u32 $0x4E0, v0;
	v19 =	vld.idx.msk [tilespmem:v19+s14+$0x0], $0xffff  }
0xc4: {  	v20 =	vld.idx.msk [tilespmem:v20+s14+$0x0], $0xffff  }
0xc5: {  	v21 =	vld.idx.msk [tilespmem:v21+s14+$0x0], $0xffff  }
0xc6: {  	v24 =	vld.idx.msk [tilespmem:v24+s14+$0x0], $0xffff  }
0xc7: {  	v22 =	vld.idx.msk [tilespmem:v22+s14+$0x0], $0xffff;
	v1 =	vadd.f32 v2, v1;
	v2 =	vadd.f32 v4, v3  }
0xc8: {  	v23 =	vld.idx.msk [tilespmem:v23+s14+$0x0], $0xffff;
	v3 =	vadd.f32 v6, v5;
	v4 =	vadd.f32 v8, v7  }
0xc9: {  	v5 =	vor.u32 $0x500, v0;
	v6 =	vadd.f32 v11, v9;
	v7 =	vadd.f32 v15, v13  }
0xca: {  	v8 =	vadd.f32 v10, v17;
	v17 =	vadd.f32 v14, v12  }
0xcb: {  	v18 =	vadd.f32 v18, v16;
	v19 =	vadd.f32 v20, v19  }
0xcc: {  	v1 =	vadd.f32 v2, v1;
	v2 =	vadd.f32 v4, v3  }
0xcd: {  	v20 =	vadd.f32 v22, v21;
	v21 =	vadd.f32 v24, v23  }
0xce: {  	v9 =	vadd.f32 v19, v18;
	v3 =	vld.idx.msk [tilespmem:v5+s14+$0x0], $0xffff;
	v22 =	vadd.f32 v7, v6  }
0xcf: {  	v23 =	vadd.f32 v17, v8;
	v10 =	vadd.f32 v21, v20  }
0xd0: {  	v1 =	vadd.f32 v2, v1  }
0xd1: {  	v2 =	vadd.f32 v23, v22;
	v11 =	vadd.f32 v10, v9;
	_ =	sdelay $0x1  }
0xd2: {  	v1 =	vadd.f32 v2, v1;
	v2 =	vadd.f32 v11, v3;
	_ =	sdelay $0x1  }
0xd3: {  	v1 =	vadd.f32 v2, v1  }
0xd4: {  	v2 =	vld [tilespmem:$0x12E00]  }
0xd5: {  	v3 =	vperm.xlane v1, v25;
	_ =	sdelay $0x1  }
0xd6: {  	v1 =	vadd.f32 v1, v3;
	_ =	sdelay $0x1  }
0xd7: {  	v1 =	vadd.f32 v1, v2;
	_ =	sdelay $0x1  }
0xd8: {  	s23 =	sadd.s32 @!p0 $0x500, s21;
	s24 =	simm.s32 @!p0 $0x10380;
	[tilespmem:s19+$0xFFFFFFE0] =	vst v1;
	v1 =	vor.u32 $0x540, v0  }
0xd9: {  	v2 =	vor.u32 $0x550, v0;
	[tilespmem:s24], [sflag:$0x3] =	stream.indirect.gather @!p0 [spmem:s3], $0x8, s23, s22, $0xb8;
	[tilespmem:$0x1F160] =	vst v63  }
0xda: {  	v3 =	vor.u32 $0x560, v0;
	_ =	swait.ge [sflag:s0], $0x1C0  }
0xdb: {  	v12 =	vor.u32 $0x570, v0;
	[sflag:s0] =	ssyncset.done $0x0  }
0xdc: {  	v13 =	vor.u32 $0x580, v0;
	[sflag:s0] =	ssyncadd.s32 $0xFFFFFE40  }
0xdd: {  	v14 =	vor.u32 $0x590, v0;
	v1 =	vld.idx.msk [tilespmem:v1+s14+$0x0], $0xffff  }
0xde: {  	v15 =	vor.u32 $0x5A0, v0;
	v2 =	vld.idx.msk [tilespmem:v2+s14+$0x0], $0xffff  }
0xdf: {  	v16 =	vor.u32 $0x5B0, v0;
	v3 =	vld.idx.msk [tilespmem:v3+s14+$0x0], $0xffff  }
0xe0: {  	v17 =	vor.u32 $0x5C0, v0;
	v4 =	vld.idx.msk [tilespmem:v12+s14+$0x0], $0xffff  }
0xe1: {  	v18 =	vor.u32 $0x5D0, v0;
	v5 =	vld.idx.msk [tilespmem:v13+s14+$0x0], $0xffff  }
0xe2: {  	v19 =	vor.u32 $0x5E0, v0;
	v6 =	vld.idx.msk [tilespmem:v14+s14+$0x0], $0xffff  }
0xe3: {  	v20 =	vor.u32 $0x5F0, v0;
	v7 =	vld.idx.msk [tilespmem:v15+s14+$0x0], $0xffff  }
0xe4: {  	v21 =	vor.u32 $0x600, v0;
	v8 =	vld.idx.msk [tilespmem:v16+s14+$0x0], $0xffff  }
0xe5: {  	v22 =	vor.u32 $0x610, v0;
	v9 =	vld.idx.msk [tilespmem:v17+s14+$0x0], $0xffff  }
0xe6: {  	v23 =	vor.u32 $0x620, v0;
	v10 =	vld.idx.msk [tilespmem:v18+s14+$0x0], $0xffff  }
0xe7: {  	v24 =	vor.u32 $0x6B0, v0;
	v11 =	vld.idx.msk [tilespmem:v19+s14+$0x0], $0xffff  }
0xe8: {  	v16 =	vor.u32 $0x630, v0;
	v12 =	vld.idx.msk [tilespmem:v20+s14+$0x0], $0xffff  }
0xe9: {  	v17 =	vor.u32 $0x640, v0;
	v13 =	vld.idx.msk [tilespmem:v21+s14+$0x0], $0xffff  }
0xea: {  	v18 =	vor.u32 $0x650, v0;
	v14 =	vld.idx.msk [tilespmem:v22+s14+$0x0], $0xffff  }
0xeb: {  	v19 =	vor.u32 $0x660, v0;
	v15 =	vld.idx.msk [tilespmem:v23+s14+$0x0], $0xffff  }
0xec: {  	v20 =	vor.u32 $0x670, v0;
	v24 =	vld.idx.msk [tilespmem:v24+s14+$0x0], $0xffff  }
0xed: {  	v21 =	vor.u32 $0x680, v0;
	v16 =	vld.idx.msk [tilespmem:v16+s14+$0x0], $0xffff  }
0xee: {  	v22 =	vor.u32 $0x690, v0;
	v17 =	vld.idx.msk [tilespmem:v17+s14+$0x0], $0xffff  }
0xef: {  	v23 =	vor.u32 $0x6A0, v0;
	v18 =	vld.idx.msk [tilespmem:v18+s14+$0x0], $0xffff  }
0xf0: {  	v19 =	vld.idx.msk [tilespmem:v19+s14+$0x0], $0xffff  }
0xf1: {  	v20 =	vld.idx.msk [tilespmem:v20+s14+$0x0], $0xffff  }
0xf2: {  	v21 =	vld.idx.msk [tilespmem:v21+s14+$0x0], $0xffff  }
0xf3: {  	v22 =	vld.idx.msk [tilespmem:v22+s14+$0x0], $0xffff;
	v1 =	vadd.f32 v2, v1;
	v2 =	vadd.f32 v4, v3  }
0xf4: {  	v23 =	vld.idx.msk [tilespmem:v23+s14+$0x0], $0xffff;
	v3 =	vadd.f32 v6, v5;
	v4 =	vadd.f32 v8, v7  }
0xf5: {  	v5 =	vor.u32 $0x6C0, v0;
	v6 =	vadd.f32 v10, v9;
	v7 =	vadd.f32 v12, v11  }
0xf6: {  	v8 =	vadd.f32 v14, v13;
	v1 =	vadd.f32 v2, v1  }
0xf7: {  	v2 =	vadd.f32 v4, v3;
	v16 =	vadd.f32 v16, v15  }
0xf8: {  	v18 =	vadd.f32 v18, v17;
	v19 =	vadd.f32 v20, v19  }
0xf9: {  	v20 =	vadd.f32 v22, v21;
	v21 =	vadd.f32 v24, v23  }
0xfa: {  	v3 =	vld.idx.msk [tilespmem:v5+s14+$0x0], $0xffff;
	v22 =	vadd.f32 v7, v6;
	v23 =	vadd.f32 v16, v8  }
0xfb: {  	v9 =	vadd.f32 v19, v18;
	v10 =	vadd.f32 v21, v20  }
0xfc: {  	v1 =	vadd.f32 v2, v1  }
0xfd: {  	v2 =	vadd.f32 v23, v22;
	v11 =	vadd.f32 v10, v9;
	_ =	sdelay $0x1  }
0xfe: {  	v1 =	vadd.f32 v2, v1;
	v2 =	vadd.f32 v11, v3;
	_ =	sdelay $0x1  }
0xff: {  	v1 =	vadd.f32 v2, v1  }
0x100: {  	v2 =	vld [tilespmem:$0x12E00]  }
0x101: {  	v3 =	vperm.xlane v1, v25;
	_ =	sdelay $0x1  }
0x102: {  	v1 =	vadd.f32 v1, v3;
	_ =	sdelay $0x1  }
0x103: {  	v1 =	vadd.f32 v1, v2;
	_ =	sdelay $0x1  }
0x104: {  	s23 =	sadd.s32 @!p0 $0x580, s21;
	s24 =	simm.s32 @!p0 $0x10540;
	[tilespmem:s19+$0xFFFFFFF0] =	vst v1;
	v1 =	vor.u32 $0x700, v0  }
0x105: {  	v2 =	vor.u32 $0x710, v0;
	[tilespmem:s24], [sflag:$0x4] =	stream.indirect.gather @!p0 [spmem:s3], $0x8, s23, s22, $0xb8;
	[tilespmem:$0x1F160] =	vst v63  }
0x106: {  	v3 =	vor.u32 $0x720, v0;
	_ =	swait.ge [sflag:s1], $0x1C0  }
0x107: {  	v12 =	vor.u32 $0x730, v0;
	[sflag:s1] =	ssyncset.done $0x0  }
0x108: {  	v13 =	vor.u32 $0x740, v0;
	[sflag:s1] =	ssyncadd.s32 $0xFFFFFE40  }
0x109: {  	v14 =	vor.u32 $0x750, v0;
	v1 =	vld.idx.msk [tilespmem:v1+s14+$0x0], $0xffff  }
0x10a: {  	v15 =	vor.u32 $0x760, v0;
	v2 =	vld.idx.msk [tilespmem:v2+s14+$0x0], $0xffff  }
0x10b: {  	v16 =	vor.u32 $0x770, v0;
	v3 =	vld.idx.msk [tilespmem:v3+s14+$0x0], $0xffff  }
0x10c: {  	v17 =	vor.u32 $0x780, v0;
	v4 =	vld.idx.msk [tilespmem:v12+s14+$0x0], $0xffff  }
0x10d: {  	v18 =	vor.u32 $0x790, v0;
	v5 =	vld.idx.msk [tilespmem:v13+s14+$0x0], $0xffff  }
0x10e: {  	v19 =	vor.u32 $0x7A0, v0;
	v6 =	vld.idx.msk [tilespmem:v14+s14+$0x0], $0xffff  }
0x10f: {  	v20 =	vor.u32 $0x7B0, v0;
	v7 =	vld.idx.msk [tilespmem:v15+s14+$0x0], $0xffff  }
0x110: {  	v21 =	vor.u32 $0x7C0, v0;
	v8 =	vld.idx.msk [tilespmem:v16+s14+$0x0], $0xffff  }
0x111: {  	v22 =	vor.u32 $0x7D0, v0;
	v9 =	vld.idx.msk [tilespmem:v17+s14+$0x0], $0xffff  }
0x112: {  	v23 =	vor.u32 $0x7E0, v0;
	v10 =	vld.idx.msk [tilespmem:v18+s14+$0x0], $0xffff  }
0x113: {  	v24 =	vor.u32 $0x870, v0;
	v11 =	vld.idx.msk [tilespmem:v19+s14+$0x0], $0xffff  }
0x114: {  	v16 =	vor.u32 $0x7F0, v0;
	v12 =	vld.idx.msk [tilespmem:v20+s14+$0x0], $0xffff  }
0x115: {  	v17 =	vor.u32 $0x800, v0;
	v13 =	vld.idx.msk [tilespmem:v21+s14+$0x0], $0xffff  }
0x116: {  	v18 =	vor.u32 $0x810, v0;
	v14 =	vld.idx.msk [tilespmem:v22+s14+$0x0], $0xffff  }
0x117: {  	v19 =	vor.u32 $0x820, v0;
	v15 =	vld.idx.msk [tilespmem:v23+s14+$0x0], $0xffff  }
0x118: {  	v20 =	vor.u32 $0x830, v0;
	v24 =	vld.idx.msk [tilespmem:v24+s14+$0x0], $0xffff  }
0x119: {  	v21 =	vor.u32 $0x840, v0;
	v16 =	vld.idx.msk [tilespmem:v16+s14+$0x0], $0xffff  }
0x11a: {  	v22 =	vor.u32 $0x850, v0;
	v17 =	vld.idx.msk [tilespmem:v17+s14+$0x0], $0xffff  }
0x11b: {  	v23 =	vor.u32 $0x860, v0;
	v18 =	vld.idx.msk [tilespmem:v18+s14+$0x0], $0xffff  }
0x11c: {  	v19 =	vld.idx.msk [tilespmem:v19+s14+$0x0], $0xffff  }
0x11d: {  	v20 =	vld.idx.msk [tilespmem:v20+s14+$0x0], $0xffff  }
0x11e: {  	v21 =	vld.idx.msk [tilespmem:v21+s14+$0x0], $0xffff  }
0x11f: {  	v22 =	vld.idx.msk [tilespmem:v22+s14+$0x0], $0xffff;
	v1 =	vadd.f32 v2, v1;
	v2 =	vadd.f32 v4, v3  }
0x120: {  	v23 =	vld.idx.msk [tilespmem:v23+s14+$0x0], $0xffff;
	v3 =	vadd.f32 v6, v5;
	v4 =	vadd.f32 v8, v7  }
0x121: {  	v5 =	vor.u32 $0x880, v0;
	v6 =	vadd.f32 v10, v9;
	v7 =	vadd.f32 v12, v11  }
0x122: {  	v8 =	vadd.f32 v14, v13;
	v1 =	vadd.f32 v2, v1  }
0x123: {  	v2 =	vadd.f32 v4, v3;
	v16 =	vadd.f32 v16, v15  }
0x124: {  	v18 =	vadd.f32 v18, v17;
	v19 =	vadd.f32 v20, v19  }
0x125: {  	v20 =	vadd.f32 v22, v21;
	v21 =	vadd.f32 v24, v23  }
0x126: {  	v3 =	vld.idx.msk [tilespmem:v5+s14+$0x0], $0xffff;
	v22 =	vadd.f32 v7, v6;
	v23 =	vadd.f32 v16, v8  }
0x127: {  	v9 =	vadd.f32 v19, v18;
	v10 =	vadd.f32 v21, v20  }
0x128: {  	v1 =	vadd.f32 v2, v1  }
0x129: {  	v2 =	vadd.f32 v23, v22;
	v11 =	vadd.f32 v10, v9;
	_ =	sdelay $0x1  }
0x12a: {  	v1 =	vadd.f32 v2, v1;
	v2 =	vadd.f32 v11, v3;
	_ =	sdelay $0x1  }
0x12b: {  	v1 =	vadd.f32 v2, v1  }
0x12c: {  	v2 =	vld [tilespmem:$0x12E00]  }
0x12d: {  	v3 =	vperm.xlane v1, v25;
	_ =	sdelay $0x1  }
0x12e: {  	v1 =	vadd.f32 v1, v3;
	_ =	sdelay $0x1  }
0x12f: {  	v1 =	vadd.f32 v1, v2;
	_ =	sdelay $0x1  }
0x130: {  	s23 =	sadd.s32 @!p0 $0x600, s21;
	s24 =	simm.s32 @!p0 $0x10700;
	[tilespmem:s19+$0x0] =	vst v1;
	v1 =	vor.u32 $0x8C0, v0  }
0x131: {  	v2 =	vor.u32 $0x8D0, v0;
	[tilespmem:s24], [sflag:$0x5] =	stream.indirect.gather @!p0 [spmem:s3], $0x8, s23, s22, $0xb8;
	[tilespmem:$0x1F160] =	vst v63  }
0x132: {  	v3 =	vor.u32 $0x8E0, v0;
	_ =	swait.ge [sflag:s12], $0x1C0  }
0x133: {  	v12 =	vor.u32 $0x8F0, v0;
	[sflag:s12] =	ssyncset.done $0x0  }
0x134: {  	v13 =	vor.u32 $0x900, v0;
	[sflag:s12] =	ssyncadd.s32 $0xFFFFFE40  }
0x135: {  	v14 =	vor.u32 $0x910, v0;
	v1 =	vld.idx.msk [tilespmem:v1+s14+$0x0], $0xffff  }
0x136: {  	v15 =	vor.u32 $0x920, v0;
	v2 =	vld.idx.msk [tilespmem:v2+s14+$0x0], $0xffff  }
0x137: {  	v16 =	vor.u32 $0x930, v0;
	v3 =	vld.idx.msk [tilespmem:v3+s14+$0x0], $0xffff  }
0x138: {  	v17 =	vor.u32 $0x940, v0;
	v4 =	vld.idx.msk [tilespmem:v12+s14+$0x0], $0xffff  }
0x139: {  	v18 =	vor.u32 $0x950, v0;
	v5 =	vld.idx.msk [tilespmem:v13+s14+$0x0], $0xffff  }
0x13a: {  	v19 =	vor.u32 $0x960, v0;
	v6 =	vld.idx.msk [tilespmem:v14+s14+$0x0], $0xffff  }
0x13b: {  	v20 =	vor.u32 $0x970, v0;
	v7 =	vld.idx.msk [tilespmem:v15+s14+$0x0], $0xffff  }
0x13c: {  	v21 =	vor.u32 $0x980, v0;
	v8 =	vld.idx.msk [tilespmem:v16+s14+$0x0], $0xffff  }
0x13d: {  	v22 =	vor.u32 $0x990, v0;
	v9 =	vld.idx.msk [tilespmem:v17+s14+$0x0], $0xffff  }
0x13e: {  	v23 =	vor.u32 $0x9A0, v0;
	v10 =	vld.idx.msk [tilespmem:v18+s14+$0x0], $0xffff  }
0x13f: {  	v24 =	vor.u32 $0xA30, v0;
	v11 =	vld.idx.msk [tilespmem:v19+s14+$0x0], $0xffff  }
0x140: {  	v16 =	vor.u32 $0x9B0, v0;
	v12 =	vld.idx.msk [tilespmem:v20+s14+$0x0], $0xffff  }
0x141: {  	v17 =	vor.u32 $0x9C0, v0;
	v13 =	vld.idx.msk [tilespmem:v21+s14+$0x0], $0xffff  }
0x142: {  	v18 =	vor.u32 $0x9D0, v0;
	v14 =	vld.idx.msk [tilespmem:v22+s14+$0x0], $0xffff  }
0x143: {  	v19 =	vor.u32 $0x9E0, v0;
	v15 =	vld.idx.msk [tilespmem:v23+s14+$0x0], $0xffff  }
0x144: {  	v20 =	vor.u32 $0x9F0, v0;
	v24 =	vld.idx.msk [tilespmem:v24+s14+$0x0], $0xffff  }
0x145: {  	v21 =	vor.u32 $0xA00, v0;
	v16 =	vld.idx.msk [tilespmem:v16+s14+$0x0], $0xffff  }
0x146: {  	v22 =	vor.u32 $0xA10, v0;
	v17 =	vld.idx.msk [tilespmem:v17+s14+$0x0], $0xffff  }
0x147: {  	v23 =	vor.u32 $0xA20, v0;
	v18 =	vld.idx.msk [tilespmem:v18+s14+$0x0], $0xffff  }
0x148: {  	v19 =	vld.idx.msk [tilespmem:v19+s14+$0x0], $0xffff  }
0x149: {  	v20 =	vld.idx.msk [tilespmem:v20+s14+$0x0], $0xffff  }
0x14a: {  	v21 =	vld.idx.msk [tilespmem:v21+s14+$0x0], $0xffff  }
0x14b: {  	v22 =	vld.idx.msk [tilespmem:v22+s14+$0x0], $0xffff;
	v1 =	vadd.f32 v2, v1;
	v2 =	vadd.f32 v4, v3  }
0x14c: {  	v23 =	vld.idx.msk [tilespmem:v23+s14+$0x0], $0xffff;
	v3 =	vadd.f32 v6, v5;
	v4 =	vadd.f32 v8, v7  }
0x14d: {  	v5 =	vor.u32 $0xA40, v0;
	v6 =	vadd.f32 v10, v9;
	v7 =	vadd.f32 v12, v11  }
0x14e: {  	v8 =	vadd.f32 v14, v13;
	v1 =	vadd.f32 v2, v1  }
0x14f: {  	v2 =	vadd.f32 v4, v3;
	v16 =	vadd.f32 v16, v15  }
0x150: {  	v18 =	vadd.f32 v18, v17;
	v19 =	vadd.f32 v20, v19  }
0x151: {  	v20 =	vadd.f32 v22, v21;
	v21 =	vadd.f32 v24, v23  }
0x152: {  	v3 =	vld.idx.msk [tilespmem:v5+s14+$0x0], $0xffff;
	v22 =	vadd.f32 v7, v6;
	v23 =	vadd.f32 v16, v8  }
0x153: {  	v9 =	vadd.f32 v19, v18;
	v10 =	vadd.f32 v21, v20  }
0x154: {  	v1 =	vadd.f32 v2, v1  }
0x155: {  	v2 =	vadd.f32 v23, v22;
	v11 =	vadd.f32 v10, v9;
	_ =	sdelay $0x1  }
0x156: {  	v1 =	vadd.f32 v2, v1;
	v2 =	vadd.f32 v11, v3;
	_ =	sdelay $0x1  }
0x157: {  	v1 =	vadd.f32 v2, v1  }
0x158: {  	v2 =	vld [tilespmem:$0x12E00]  }
0x159: {  	v3 =	vperm.xlane v1, v25;
	_ =	sdelay $0x1  }
0x15a: {  	v1 =	vadd.f32 v1, v3;
	_ =	sdelay $0x1  }
0x15b: {  	v1 =	vadd.f32 v1, v2;
	_ =	sdelay $0x1  }
0x15c: {  	s23 =	sadd.s32 @!p0 $0x680, s21;
	s24 =	simm.s32 @!p0 $0x108C0;
	[tilespmem:s19+$0x10] =	vst v1;
	v1 =	vor.u32 $0xA80, v0  }
0x15d: {  	v2 =	vor.u32 $0xA90, v0;
	[tilespmem:s24], [sflag:$0x6] =	stream.indirect.gather @!p0 [spmem:s3], $0x8, s23, s22, $0xb8;
	[tilespmem:$0x1F160] =	vst v63  }
0x15e: {  	v3 =	vor.u32 $0xAA0, v0;
	_ =	swait.ge [sflag:s15], $0x1C0  }
0x15f: {  	v12 =	vor.u32 $0xAB0, v0;
	[sflag:s15] =	ssyncset.done $0x0  }
0x160: {  	v13 =	vor.u32 $0xAC0, v0;
	[sflag:s15] =	ssyncadd.s32 $0xFFFFFE40  }
0x161: {  	v14 =	vor.u32 $0xAD0, v0;
	v1 =	vld.idx.msk [tilespmem:v1+s14+$0x0], $0xffff  }
0x162: {  	v15 =	vor.u32 $0xAE0, v0;
	v2 =	vld.idx.msk [tilespmem:v2+s14+$0x0], $0xffff  }
0x163: {  	v16 =	vor.u32 $0xAF0, v0;
	v3 =	vld.idx.msk [tilespmem:v3+s14+$0x0], $0xffff  }
0x164: {  	v17 =	vor.u32 $0xB00, v0;
	v4 =	vld.idx.msk [tilespmem:v12+s14+$0x0], $0xffff  }
0x165: {  	v18 =	vor.u32 $0xB10, v0;
	v5 =	vld.idx.msk [tilespmem:v13+s14+$0x0], $0xffff  }
0x166: {  	v19 =	vor.u32 $0xB20, v0;
	v6 =	vld.idx.msk [tilespmem:v14+s14+$0x0], $0xffff  }
0x167: {  	v20 =	vor.u32 $0xB30, v0;
	v7 =	vld.idx.msk [tilespmem:v15+s14+$0x0], $0xffff  }
0x168: {  	v21 =	vor.u32 $0xB40, v0;
	v8 =	vld.idx.msk [tilespmem:v16+s14+$0x0], $0xffff  }
0x169: {  	v22 =	vor.u32 $0xB50, v0;
	v9 =	vld.idx.msk [tilespmem:v17+s14+$0x0], $0xffff  }
0x16a: {  	v23 =	vor.u32 $0xB60, v0;
	v10 =	vld.idx.msk [tilespmem:v18+s14+$0x0], $0xffff  }
0x16b: {  	v24 =	vor.u32 $0xBF0, v0;
	v11 =	vld.idx.msk [tilespmem:v19+s14+$0x0], $0xffff  }
0x16c: {  	v16 =	vor.u32 $0xB70, v0;
	v12 =	vld.idx.msk [tilespmem:v20+s14+$0x0], $0xffff  }
0x16d: {  	v17 =	vor.u32 $0xB80, v0;
	v13 =	vld.idx.msk [tilespmem:v21+s14+$0x0], $0xffff  }
0x16e: {  	v18 =	vor.u32 $0xB90, v0;
	v14 =	vld.idx.msk [tilespmem:v22+s14+$0x0], $0xffff  }
0x16f: {  	v19 =	vor.u32 $0xBA0, v0;
	v15 =	vld.idx.msk [tilespmem:v23+s14+$0x0], $0xffff  }
0x170: {  	v20 =	vor.u32 $0xBB0, v0;
	v24 =	vld.idx.msk [tilespmem:v24+s14+$0x0], $0xffff  }
0x171: {  	v21 =	vor.u32 $0xBC0, v0;
	v16 =	vld.idx.msk [tilespmem:v16+s14+$0x0], $0xffff  }
0x172: {  	v22 =	vor.u32 $0xBD0, v0;
	v17 =	vld.idx.msk [tilespmem:v17+s14+$0x0], $0xffff  }
0x173: {  	v23 =	vor.u32 $0xBE0, v0;
	v18 =	vld.idx.msk [tilespmem:v18+s14+$0x0], $0xffff  }
0x174: {  	v19 =	vld.idx.msk [tilespmem:v19+s14+$0x0], $0xffff  }
0x175: {  	v20 =	vld.idx.msk [tilespmem:v20+s14+$0x0], $0xffff  }
0x176: {  	v21 =	vld.idx.msk [tilespmem:v21+s14+$0x0], $0xffff  }
0x177: {  	v22 =	vld.idx.msk [tilespmem:v22+s14+$0x0], $0xffff;
	v1 =	vadd.f32 v2, v1;
	v2 =	vadd.f32 v4, v3  }
0x178: {  	v23 =	vld.idx.msk [tilespmem:v23+s14+$0x0], $0xffff;
	v3 =	vadd.f32 v6, v5;
	v4 =	vadd.f32 v8, v7  }
0x179: {  	v5 =	vor.u32 $0xC00, v0;
	v6 =	vadd.f32 v10, v9;
	v7 =	vadd.f32 v12, v11  }
0x17a: {  	v8 =	vadd.f32 v14, v13;
	v1 =	vadd.f32 v2, v1  }
0x17b: {  	v2 =	vadd.f32 v4, v3;
	v16 =	vadd.f32 v16, v15  }
0x17c: {  	v18 =	vadd.f32 v18, v17;
	v19 =	vadd.f32 v20, v19  }
0x17d: {  	v20 =	vadd.f32 v22, v21;
	v21 =	vadd.f32 v24, v23  }
0x17e: {  	v3 =	vld.idx.msk [tilespmem:v5+s14+$0x0], $0xffff;
	v22 =	vadd.f32 v7, v6;
	v23 =	vadd.f32 v16, v8  }
0x17f: {  	v9 =	vadd.f32 v19, v18;
	v10 =	vadd.f32 v21, v20  }
0x180: {  	v1 =	vadd.f32 v2, v1  }
0x181: {  	v2 =	vadd.f32 v23, v22;
	v11 =	vadd.f32 v10, v9;
	_ =	sdelay $0x1  }
0x182: {  	v1 =	vadd.f32 v2, v1;
	v2 =	vadd.f32 v11, v3;
	_ =	sdelay $0x1  }
0x183: {  	v1 =	vadd.f32 v2, v1  }
0x184: {  	v2 =	vld [tilespmem:$0x12E00]  }
0x185: {  	v3 =	vperm.xlane v1, v25;
	_ =	sdelay $0x1  }
0x186: {  	v1 =	vadd.f32 v1, v3;
	_ =	sdelay $0x1  }
0x187: {  	v1 =	vadd.f32 v1, v2;
	_ =	sdelay $0x1  }
0x188: {  	s21 =	sadd.s32 @!p0 $0x700, s21;
	s23 =	simm.s32 @!p0 $0x10A80;
	[tilespmem:s19+$0x20] =	vst v1;
	v1 =	vor.u32 $0xC40, v0  }
0x189: {  	v2 =	vor.u32 $0xC50, v0;
	[tilespmem:s23], [sflag:$0x7] =	stream.indirect.gather @!p0 [spmem:s3], $0x8, s21, s22, $0xb8;
	[tilespmem:$0x1F160] =	vst v63  }
0x18a: {  	v3 =	vor.u32 $0xC60, v0;
	_ =	swait.ge [sflag:s16], $0x1C0  }
0x18b: {  	v12 =	vor.u32 $0xC70, v0;
	[sflag:s16] =	ssyncset.done $0x0  }
0x18c: {  	v13 =	vor.u32 $0xC80, v0;
	[sflag:s16] =	ssyncadd.s32 $0xFFFFFE40  }
0x18d: {  	v14 =	vor.u32 $0xC90, v0;
	v1 =	vld.idx.msk [tilespmem:v1+s14+$0x0], $0xffff  }
0x18e: {  	v15 =	vor.u32 $0xCA0, v0;
	v2 =	vld.idx.msk [tilespmem:v2+s14+$0x0], $0xffff  }
0x18f: {  	v16 =	vor.u32 $0xCB0, v0;
	v3 =	vld.idx.msk [tilespmem:v3+s14+$0x0], $0xffff  }
0x190: {  	v17 =	vor.u32 $0xCC0, v0;
	v4 =	vld.idx.msk [tilespmem:v12+s14+$0x0], $0xffff  }
0x191: {  	v18 =	vor.u32 $0xCD0, v0;
	v5 =	vld.idx.msk [tilespmem:v13+s14+$0x0], $0xffff  }
0x192: {  	v19 =	vor.u32 $0xCE0, v0;
	v6 =	vld.idx.msk [tilespmem:v14+s14+$0x0], $0xffff  }
0x193: {  	v20 =	vor.u32 $0xCF0, v0;
	v7 =	vld.idx.msk [tilespmem:v15+s14+$0x0], $0xffff  }
0x194: {  	v21 =	vor.u32 $0xD00, v0;
	v8 =	vld.idx.msk [tilespmem:v16+s14+$0x0], $0xffff  }
0x195: {  	v22 =	vor.u32 $0xD10, v0;
	v9 =	vld.idx.msk [tilespmem:v17+s14+$0x0], $0xffff  }
0x196: {  	v23 =	vor.u32 $0xD20, v0;
	v10 =	vld.idx.msk [tilespmem:v18+s14+$0x0], $0xffff  }
0x197: {  	v11 =	vld.idx.msk [tilespmem:v19+s14+$0x0], $0xffff;
	v16 =	vor.u32 $0xD30, v0  }
0x198: {  	v12 =	vld.idx.msk [tilespmem:v20+s14+$0x0], $0xffff;
	v17 =	vor.u32 $0xD40, v0  }
0x199: {  	v13 =	vld.idx.msk [tilespmem:v21+s14+$0x0], $0xffff;
	v18 =	vor.u32 $0xD50, v0  }
0x19a: {  	v14 =	vld.idx.msk [tilespmem:v22+s14+$0x0], $0xffff;
	v19 =	vor.u32 $0xD60, v0  }
0x19b: {  	v15 =	vld.idx.msk [tilespmem:v23+s14+$0x0], $0xffff;
	v20 =	vor.u32 $0xD70, v0  }
0x19c: {  	v21 =	vor.u32 $0xD80, v0;
	v16 =	vld.idx.msk [tilespmem:v16+s14+$0x0], $0xffff  }
0x19d: {  	v22 =	vor.u32 $0xD90, v0;
	v17 =	vld.idx.msk [tilespmem:v17+s14+$0x0], $0xffff  }
0x19e: {  	v23 =	vor.u32 $0xDA0, v0;
	v18 =	vld.idx.msk [tilespmem:v18+s14+$0x0], $0xffff  }
0x19f: {  	v24 =	vor.u32 $0xDB0, v0;
	v19 =	vld.idx.msk [tilespmem:v19+s14+$0x0], $0xffff  }
0x1a0: {  	v20 =	vld.idx.msk [tilespmem:v20+s14+$0x0], $0xffff  }
0x1a1: {  	v21 =	vld.idx.msk [tilespmem:v21+s14+$0x0], $0xffff  }
0x1a2: {  	v22 =	vld.idx.msk [tilespmem:v22+s14+$0x0], $0xffff  }
0x1a3: {  	v23 =	vld.idx.msk [tilespmem:v23+s14+$0x0], $0xffff;
	v1 =	vadd.f32 v2, v1;
	v2 =	vadd.f32 v4, v3  }
0x1a4: {  	v3 =	vld.idx.msk [tilespmem:v24+s14+$0x0], $0xffff;
	v4 =	vadd.f32 v6, v5;
	v5 =	vadd.f32 v8, v7  }
0x1a5: {  	v6 =	vadd.f32 v10, v9;
	v7 =	vadd.f32 v12, v11;
	v8 =	vor.u32 $0xDC0, v0  }
0x1a6: {  	v9 =	vadd.f32 v14, v13;
	v1 =	vadd.f32 v2, v1  }
0x1a7: {  	v2 =	vadd.f32 v5, v4;
	v16 =	vadd.f32 v16, v15  }
0x1a8: {  	v17 =	vadd.f32 v18, v17;
	v18 =	vadd.f32 v20, v19  }
0x1a9: {  	v19 =	vadd.f32 v22, v21;
	v3 =	vadd.f32 v3, v23  }
0x1aa: {  	v20 =	vadd.f32 v7, v6;
	v22 =	vld.idx.msk [tilespmem:v8+s14+$0x0], $0xffff;
	v21 =	vadd.f32 v16, v9  }
0x1ab: {  	v23 =	vadd.f32 v18, v17;
	v3 =	vadd.f32 v3, v19  }
0x1ac: {  	v1 =	vadd.f32 v2, v1  }
0x1ad: {  	v2 =	vadd.f32 v21, v20;
	v3 =	vadd.f32 v3, v23;
	_ =	sdelay $0x1  }
0x1ae: {  	v1 =	vadd.f32 v2, v1;
	v2 =	vadd.f32 v3, v22;
	_ =	sdelay $0x1  }
0x1af: {  	v1 =	vadd.f32 v2, v1  }
0x1b0: {  	v2 =	vld [tilespmem:$0x12E00]  }
0x1b1: {  	v3 =	vperm.xlane v1, v25;
	_ =	sdelay $0x1  }
.Ltmp2:
0x1b2: {  	v1 =	vadd.f32 v1, v3;
	(pc) =	sbr.rel @p0 .LBB2_4-.Ltmp2, $3  }
0x1b3: {  	_ = 	snop  }
0x1b4: {  	v1 =	vadd.f32 v1, v2;
	_ =	sdelay $0x1  }
0x1b5: {  	[tilespmem:s19+$0x30] =	vst v1  }
.Ltmp3:
0x1b6: {  	(pc) =	sbr.rel .LBB2_2-.Ltmp3, $4  }
0x1b7: {  	_ = 	snop  }
0x1b8: {  	s21 =	sshra.s32 s20, $0x2  }
0x1b9: {  	s20 =	sadd.s32 $0x1000, s20;
	s19 =	sadd.s32 $0x80, s19;
	s21 =	sadd.s32 $0x780, s21  }
0x1ba: {  	[tilespmem:s29], [sflag:$0x8] =	stream.indirect.gather [spmem:s3], $0x8, s21, s13, $0xb8;
	[tilespmem:$0x1F160] =	vst v63  }
.LBB2_5:
0x1bb: {  	_ =	sfence.sel $0x180000  }
0x1bc: {  	[bflag:$0x0] =	sbarrier.arrive $0xFFFF  }
0x1bd: {  	_ =	strace $0x90000047  }
0x1be: {  	s0 =	stileid.u32;
	[bflag:$0x2] =	sbarrier.arrive $0xFFFF  }
0x1bf: {  	p0 =	sne.s32 s0, $0x0;
	s0 =	rddreg [dreg:$0x3]  }
0x1c0: {  	s0 =	sadd.s32 @!p0 $0x100000, s0  }
0x1c1: {  	[sflag:s0] =	ssyncadd.tile.s32 @!p0 $0x1;
	_ =	shalt  }
.Lfunc_end2:
_tile_overlayer_lowered:
.L_overlay_start_2:
0x1c2: {  	(tag) =	ssettag $0x2  }
0x1c3: {  	s0 =	rddreg [dreg:$0x0];
	s2 =	stileid.u32  }
0x1c4: {  	s1 =	rddreg [dreg:$0x1];
	p0 =	sne.s32 s2, $0x0  }
0x1c5: {  	s3 =	rddreg [dreg:$0x2];
	[bflag:$0x3] =	sbarrier.arrive $0xFFFF;
	s2 =	simm.s32 @!p0 $0x1C09  }
0x1c6: {  	[timem:s3], [sflag:s2] =	dma.local @!p0 [hbm:s0], s1  }
0x1c7: {  	s0 =	simm.s32 @!p0 $0x9  }
0x1c8: {  	_ =	swait.ge @!p0 [sflag:s0], s1  }
0x1c9: {  	s1 =	ssub.s32 @!p0 $0x0, s1;
	[sflag:s0] =	ssyncset.done @!p0 $0x0  }
0x1ca: {  	[sflag:s0] =	ssyncadd.s32 @!p0 s1  }
0x1cb: {  	[bflag:$0x3] =	sbarrier.arrive $0xFFFF  }
0x1cc: {  	_ =	shalt  }

</sc_bundles>
